<compile_context>
chip_gen: v7x
topology: tpu7x:2x2x1
jax: 0.10.2.dev20260603
libtpu: 0.0.44.dev20260713+nightly
codegen_flags: <defaults>
</compile_context>

<pallas_src>
import jax
import jax.numpy as jnp
from jax import lax
from jax.experimental import pallas as pl
from jax.experimental.pallas import tpu as pltpu
from jax.experimental.pallas import tpu_sc as plsc

_B = 1024
_L = 20
_N = 50
_H = 32
_NW = 32
_HR = _B * _L
_HPW = _HR // _NW
_CH = 128
_UPW = _B // _NW
_W = 128


def _sc_gather_body(hist_ref, uid_ref, iid_ref, utab_ref, itab_ref,
                    he_ref, ue_ref, ie_ref,
                    idx_v, rows_v, idx_s, rows_s, idx_i, rows_i, sem):
    wid = lax.axis_index("s") * 2 + lax.axis_index("c")
    hb = wid * _HPW
    ub = wid * _UPW
    pltpu.sync_copy(hist_ref.at[pl.ds(hb, _HPW)], idx_v)
    pltpu.sync_copy(uid_ref.at[pl.ds(ub, _UPW)], idx_s)
    pltpu.sync_copy(iid_ref.at[pl.ds(ub, _UPW)], idx_i)
    cps = [pltpu.async_copy(itab_ref.at[idx_v.at[pl.ds(j * _CH, _CH)]],
                            rows_v.at[pl.ds(j * _CH, _CH)], sem)
           for j in range(_HPW // _CH)]
    cps.append(pltpu.async_copy(utab_ref.at[idx_s], rows_s, sem))
    cps.append(pltpu.async_copy(itab_ref.at[idx_i], rows_i, sem))
    for c in cps:
        c.wait()
    pltpu.sync_copy(rows_v, he_ref.at[pl.ds(hb, _HPW)])
    pltpu.sync_copy(rows_s, ue_ref.at[pl.ds(ub, _UPW)])
    pltpu.sync_copy(rows_i, ie_ref.at[pl.ds(ub, _UPW)])


def _sc_gather(hist, uids, iids, utab, itab):
    mesh = plsc.VectorSubcoreMesh(core_axis_name="c", subcore_axis_name="s")
    f = pl.kernel(
        _sc_gather_body,
        out_type=(
            jax.ShapeDtypeStruct((_HR, _W), jnp.float32),
            jax.ShapeDtypeStruct((_B, _W), jnp.float32),
            jax.ShapeDtypeStruct((_B, _W), jnp.float32),
        ),
        mesh=mesh,
        scratch_types=[
            pltpu.VMEM((_HPW,), jnp.int32),
            pltpu.VMEM((_HPW, _W), jnp.float32),
            pltpu.VMEM((_UPW,), jnp.int32),
            pltpu.VMEM((_UPW, _W), jnp.float32),
            pltpu.VMEM((_UPW,), jnp.int32),
            pltpu.VMEM((_UPW, _W), jnp.float32),
            pltpu.SemaphoreType.DMA,
        ],
    )
    return f(hist, uids, iids, utab, itab)


def _tc_body(nb_ref, he_ref, ue_ref, ie_ref,
             wa_ref, wsel_ref, ngb_ref, mt_ref, mb_ref,
             w1u_ref, w1a_ref, w1i_ref, b1_ref, w2_ref, b2_ref,
             ow_ref, ob_ref, out_ref, acc_ar, acc_he):
    i = pl.program_id(0)
    nb = nb_ref[0]
    he = he_ref[0]
    ha = jnp.sum(he * wa_ref[...], axis=0, keepdims=True)
    nb2 = nb.reshape(_N * _H, _B)
    s = jnp.dot(wsel_ref[...], nb2, preferred_element_type=jnp.float32) \
        + ha + ngb_ref[...]
    e = jnp.exp(jnp.maximum(s, 0.0))
    den = jnp.sum(e, axis=0, keepdims=True)
    unnorm = jnp.sum(e[:, None, :] * nb, axis=0)
    ar = unnorm * (1.0 / den)

    @pl.when(i == 0)
    def _():
        acc_ar[...] = ar
        acc_he[...] = he

    @pl.when(i > 0)
    def _():
        acc_ar[...] += ar
        acc_he[...] += he

    @pl.when(i == _L - 1)
    def _():
        arm = acc_ar[...] * (1.0 / _L)
        hem = acc_he[...] * (1.0 / _L)
        agg = hem + jnp.dot(mt_ref[...], arm,
                            preferred_element_type=jnp.float32) + mb_ref[...]
        h1 = jnp.maximum(
            jnp.dot(w1u_ref[...], ue_ref[...], preferred_element_type=jnp.float32)
            + jnp.dot(w1a_ref[...], agg, preferred_element_type=jnp.float32)
            + jnp.dot(w1i_ref[...], ie_ref[...], preferred_element_type=jnp.float32)
            + b1_ref[...], 0.0)
        h2 = jnp.maximum(
            jnp.dot(w2_ref[...], h1, preferred_element_type=jnp.float32)
            + b2_ref[...], 0.0)
        logit = jnp.sum(h2 * ow_ref[...], axis=0, keepdims=True) + ob_ref[...]
        out_ref[...] = 1.0 / (1.0 + jnp.exp(-logit))


def _tc_attention_mlp(nbt, het, uet, iet, wa, wsel, ngb, mt, mb,
                      w1u, w1a, w1i, b1, w2, b2, ow, ob):
    def full(shp):
        return pl.BlockSpec(shp, lambda i: (0,) * len(shp))

    return pl.pallas_call(
        _tc_body,
        grid=(_L,),
        in_specs=[
            pl.BlockSpec((1, _N, _H, _B), lambda i: (i, 0, 0, 0)),
            pl.BlockSpec((1, _H, _B), lambda i: (i, 0, 0)),
            full((_H, _B)),
            full((_H, _B)),
            full((_H, 1)), full((_N, _N * _H)), full((1, 1)),
            full((_H, _H)), full((_H, 1)),
            full((_H, _H)), full((_H, _H)), full((_H, _H)), full((_H, 1)),
            full((_H, _H)), full((_H, 1)),
            full((_H, 1)), full((1, 1)),
        ],
        out_specs=pl.BlockSpec((1, _B), lambda i: (0, 0)),
        out_shape=jax.ShapeDtypeStruct((1, _B), jnp.float32),
        scratch_shapes=[
            pltpu.VMEM((_H, _B), jnp.float32),
            pltpu.VMEM((_H, _B), jnp.float32),
        ],
    )(nbt, het, uet, iet, wa, wsel, ngb, mt, mb, w1u, w1a, w1i, b1, w2, b2, ow, ob)


def kernel(user_ids, item_ids, history, neighbor_emb, user_table, item_table,
           fc1_W, fc1_b, fc2_W, fc2_b, out_W, out_b,
           rg_W, rg_b, ng_W, ng_b, mh_W, mh_b):
    hist = history.reshape(-1).astype(jnp.int32)
    utab = jnp.pad(user_table, ((0, 0), (0, _W - _H)))
    itab = jnp.pad(item_table, ((0, 0), (0, _W - _H)))
    he_flat, ue, ie = _sc_gather(hist, user_ids.astype(jnp.int32),
                                 item_ids.astype(jnp.int32), utab, itab)
    nbt = neighbor_emb.transpose(1, 2, 3, 0)
    het = he_flat.reshape(_B, _L, _W)[:, :, :_H].transpose(1, 2, 0)
    uet = ue[:, :_H].T
    iet = ie[:, :_H].T

    wa = ng_W[:, :_H].T
    wsel = jnp.kron(jnp.eye(_N, dtype=jnp.float32), ng_W[:, _H:])
    ngb = ng_b.reshape(1, 1)
    mt = mh_W.reshape(_H, _H)
    mb = mh_b.reshape(_H, 1)
    w1u = fc1_W[:, :_H]
    w1a = fc1_W[:, _H:2 * _H]
    w1i = fc1_W[:, 2 * _H:]
    b1 = fc1_b.reshape(_H, 1)
    w2 = fc2_W
    b2 = fc2_b.reshape(_H, 1)
    ow = out_W.reshape(_H, 1)
    ob = out_b.reshape(1, 1)

    out2 = _tc_attention_mlp(nbt, het, uet, iet, wa, wsel, ngb, mt, mb,
                             w1u, w1a, w1i, b1, w2, b2, ow, ob)
    return out2.reshape(_B)

# --- scband reference (transcript-rebuilt; emitter-appended) ---
"""Pipeline reference for scband-graph-recommendation-model-3685081940374 (READ-ONLY COPY).

The authoritative reference and input builder live on the scoring server;
editing this copy changes nothing except your own understanding.
"""

import jax, jax.numpy as jnp
import numpy as np

NUM_USERS = 100000
NUM_ITEMS = 100000
H = 32
NH = 4
B = 1024
L = 20
NNB = 50


def setup_inputs(seed: int = 0) -> dict:
    key = jax.random.key(seed)
    ks = jax.random.split(key, 20)
    inp = {}
    inp["user_ids"] = jax.random.randint(ks[0], (B,), 0, NUM_USERS, dtype=jnp.int32).astype(jnp.int64) if False else jax.random.randint(ks[0], (B,), 0, NUM_USERS)
    inp["item_ids"] = jax.random.randint(ks[1], (B,), 0, NUM_ITEMS)
    inp["history"] = jax.random.randint(ks[2], (B, L), 0, NUM_ITEMS)
    inp["neighbor_emb"] = jax.random.normal(ks[3], (B, L, NNB, H), dtype=jnp.float32)
    inp["user_table"] = jax.random.normal(ks[4], (NUM_USERS, H), dtype=jnp.float32)
    inp["item_table"] = jax.random.normal(ks[5], (NUM_ITEMS, H), dtype=jnp.float32)
    s1 = 1.0 / np.sqrt(3 * H)
    inp["fc1_W"] = jax.random.uniform(ks[6], (H, 3 * H), jnp.float32, -s1, s1)
    inp["fc1_b"] = jax.random.uniform(ks[7], (H,), jnp.float32, -s1, s1)
    s2 = 1.0 / np.sqrt(H)
    inp["fc2_W"] = jax.random.uniform(ks[8], (H, H), jnp.float32, -s2, s2)
    inp["fc2_b"] = jax.random.uniform(ks[9], (H,), jnp.float32, -s2, s2)
    inp["out_W"] = jax.random.uniform(ks[10], (1, H), jnp.float32, -s2, s2)
    inp["out_b"] = jax.random.uniform(ks[11], (1,), jnp.float32, -s2, s2)
    s3 = 1.0 / np.sqrt(2 * H)
    inp["rg_W"] = jax.random.uniform(ks[12], (1, 2 * H), jnp.float32, -s3, s3)
    inp["rg_b"] = jax.random.uniform(ks[13], (1,), jnp.float32, -s3, s3)
    inp["ng_W"] = jax.random.uniform(ks[14], (1, 2 * H), jnp.float32, -s3, s3)
    inp["ng_b"] = jax.random.uniform(ks[15], (1,), jnp.float32, -s3, s3)
    inp["mh_W"] = jax.random.uniform(ks[16], (NH, H // NH, H), jnp.float32, -s2, s2)
    inp["mh_b"] = jax.random.uniform(ks[17], (NH, H // NH), jnp.float32, -s2, s2)
    return inp


def reference(user_ids, item_ids, history, neighbor_emb, user_table, item_table,
              fc1_W, fc1_b, fc2_W, fc2_b, out_W, out_b,
              rg_W, rg_b, ng_W, ng_b, mh_W, mh_b):
    user_emb = jnp.take(user_table, user_ids, axis=0)          # [B, H]
    item_emb = jnp.take(item_table, item_ids, axis=0)          # [B, H]
    he = jnp.take(item_table, history, axis=0)                  # [B, L, H]
    b, l, h = he.shape
    # history_emb.unsqueeze(2).expand(-1,-1,L,-1), concatenated with itself
    he_exp = jnp.broadcast_to(he[:, :, None, :], (b, l, l, h))
    real_inputs = jnp.concatenate([he_exp, he_exp], axis=-1)    # [B, L, L, 2H]
    real_scores = jax.nn.relu(real_inputs @ rg_W.T + rg_b)      # [B, L, L, 1]
    real_w = jax.nn.softmax(real_scores[..., 0], axis=-1)       # [B, L, L]
    agg_hist = (real_w[..., None] * he[:, :, None, :]).sum(axis=-2)  # [B, L, H]
    # neighbor_emb is 4D with last dim == H -> no padding branch
    n = neighbor_emb.shape[2]
    agg_hist_exp = jnp.broadcast_to(agg_hist[:, :, None, :], (b, l, n, h))
    n_inputs = jnp.concatenate([agg_hist_exp, neighbor_emb], axis=-1)  # [B, L, N, 2H]
    n_scores = jax.nn.relu(n_inputs @ ng_W.T + ng_b)[..., 0]    # [B, L, N]
    n_w = jax.nn.softmax(n_scores, axis=-1)
    agg_real = (n_w[..., None] * neighbor_emb).sum(axis=-2)     # [B, L, H]
    # multihead projections then concat along feature dim
    mh = jnp.einsum('blh,kdh->blkd', agg_real, mh_W) + mh_b     # [B, L, NH, H/NH]
    agg_real_mh = mh.reshape(b, l, h)                            # [B, L, H]
    agg = agg_hist.mean(axis=1) + agg_real_mh.mean(axis=1)      # [B, H]
    combined = jnp.concatenate([user_emb, agg, item_emb], axis=-1)  # [B, 3H]
    h1 = jax.nn.relu(combined @ fc1_W.T + fc1_b)
    # dropout is identity in eval mode
    h2 = jax.nn.relu(h1 @ fc2_W.T + fc2_b)
    out = jax.nn.sigmoid(h2 @ out_W.T + out_b)                  # [B, 1]
    return out[..., 0]                                           # squeeze -> [B]

if __name__ == "__main__":
    import jax
    _d = setup_inputs()
    print(jax.jit(kernel)(*tuple(_d.values())))

</pallas_src>

<mosaic_0001>
#map = affine_map<(d0, d1) -> (0)>
#map1 = affine_map<(d0, d1) -> (0, 0)>
module attributes {stable_mosaic.version = 14 : i64} {
  func.func @_sc_gather_body(%arg0: i32, %arg1: i32, %arg2: memref<20480xi32, #tpu.memory_space<hbm>>, %arg3: memref<1024xi32, #tpu.memory_space<hbm>>, %arg4: memref<1024xi32, #tpu.memory_space<hbm>>, %arg5: memref<100000x128xf32, #tpu.memory_space<hbm>>, %arg6: memref<100000x128xf32, #tpu.memory_space<hbm>>, %arg7: memref<20480x128xf32, #tpu.memory_space<hbm>>, %arg8: memref<1024x128xf32, #tpu.memory_space<hbm>>, %arg9: memref<1024x128xf32, #tpu.memory_space<hbm>>, %arg10: memref<640xi32, #tpu.memory_space<vmem>>, %arg11: memref<640x128xf32, #tpu.memory_space<vmem>>, %arg12: memref<32xi32, #tpu.memory_space<vmem>>, %arg13: memref<32x128xf32, #tpu.memory_space<vmem>>, %arg14: memref<32xi32, #tpu.memory_space<vmem>>, %arg15: memref<32x128xf32, #tpu.memory_space<vmem>>, %arg16: memref<!tpu.dma_semaphore, #tpu.memory_space<semaphore_mem>>) attributes {dimension_semantics = [#tpu.dimension_semantics<core_parallel>, #tpu.dimension_semantics<subcore_parallel>], iteration_bounds = array<i64: 2, 16>, scalar_prefetch = 0 : i64, scratch_operands = 7 : i64, tpu.core_type = #tpu.core_type<sc_vector_subcore>, window_params = [{transform_indices = #map}, {transform_indices = #map}, {transform_indices = #map}, {transform_indices = #map1}, {transform_indices = #map1}, {transform_indices = #map1}, {transform_indices = #map1}, {transform_indices = #map1}]} {
    %mul3A = arith.constant 2 : i32
    %mul3A_0 = arith.muli %arg1, %mul3A : i32
    %add3A = arith.addi %mul3A_0, %arg0 : i32
    %mul3A_1 = arith.constant 640 : i32
    %mul3A_2 = arith.muli %add3A, %mul3A_1 : i32
    %mul3A_3 = arith.constant 32 : i32
    %mul3A_4 = arith.muli %add3A, %mul3A_3 : i32
    "tpu.region"() ({
      %run_scoped3A = tpu.sem_alloc : memref<!tpu.dma_semaphore, #tpu.memory_space<semaphore_mem>>
      %dma_start3A_95 = tpu.memref_slice %arg2[%mul3A_2] : memref<20480xi32, #tpu.memory_space<hbm>> -> memref<640xi32, #tpu.memory_space<hbm>>
      %dma_start3A_96 = tpu.memref_slice %arg2[%mul3A_2] : memref<20480xi32, #tpu.memory_space<hbm>> -> memref<640xi32, #tpu.memory_space<hbm>>
      tpu.enqueue_dma source(%dma_start3A_96 : memref<640xi32, #tpu.memory_space<hbm>>) target(%arg10 : memref<640xi32, #tpu.memory_space<vmem>>) target_semaphore(%run_scoped3A : memref<!tpu.dma_semaphore, #tpu.memory_space<semaphore_mem>>)
      %dma_wait3A_97 = tpu.memref_slice %arg2[%mul3A_2] : memref<20480xi32, #tpu.memory_space<hbm>> -> memref<640xi32, #tpu.memory_space<hbm>>
      %dma_wait3A_98 = tpu.memref_slice %arg2[%mul3A_2] : memref<20480xi32, #tpu.memory_space<hbm>> -> memref<640xi32, #tpu.memory_space<hbm>>
      tpu.wait_dma2 semaphore(%run_scoped3A : memref<!tpu.dma_semaphore, #tpu.memory_space<semaphore_mem>>) src(%dma_wait3A_98 : memref<640xi32, #tpu.memory_space<hbm>>) dst(%arg10 : memref<640xi32, #tpu.memory_space<vmem>>)
      tpu.yield
    }) : () -> ()
    "tpu.region"() ({
      %run_scoped3A = tpu.sem_alloc : memref<!tpu.dma_semaphore, #tpu.memory_space<semaphore_mem>>
      %dma_start3A_95 = tpu.memref_slice %arg3[%mul3A_4] : memref<1024xi32, #tpu.memory_space<hbm>> -> memref<32xi32, #tpu.memory_space<hbm>>
      %dma_start3A_96 = tpu.memref_slice %arg3[%mul3A_4] : memref<1024xi32, #tpu.memory_space<hbm>> -> memref<32xi32, #tpu.memory_space<hbm>>
      tpu.enqueue_dma source(%dma_start3A_96 : memref<32xi32, #tpu.memory_space<hbm>>) target(%arg12 : memref<32xi32, #tpu.memory_space<vmem>>) target_semaphore(%run_scoped3A : memref<!tpu.dma_semaphore, #tpu.memory_space<semaphore_mem>>)
      %dma_wait3A_97 = tpu.memref_slice %arg3[%mul3A_4] : memref<1024xi32, #tpu.memory_space<hbm>> -> memref<32xi32, #tpu.memory_space<hbm>>
      %dma_wait3A_98 = tpu.memref_slice %arg3[%mul3A_4] : memref<1024xi32, #tpu.memory_space<hbm>> -> memref<32xi32, #tpu.memory_space<hbm>>
      tpu.wait_dma2 semaphore(%run_scoped3A : memref<!tpu.dma_semaphore, #tpu.memory_space<semaphore_mem>>) src(%dma_wait3A_98 : memref<32xi32, #tpu.memory_space<hbm>>) dst(%arg12 : memref<32xi32, #tpu.memory_space<vmem>>)
      tpu.yield
    }) : () -> ()
    "tpu.region"() ({
      %run_scoped3A = tpu.sem_alloc : memref<!tpu.dma_semaphore, #tpu.memory_space<semaphore_mem>>
      %dma_start3A_95 = tpu.memref_slice %arg4[%mul3A_4] : memref<1024xi32, #tpu.memory_space<hbm>> -> memref<32xi32, #tpu.memory_space<hbm>>
      %dma_start3A_96 = tpu.memref_slice %arg4[%mul3A_4] : memref<1024xi32, #tpu.memory_space<hbm>> -> memref<32xi32, #tpu.memory_space<hbm>>
      tpu.enqueue_dma source(%dma_start3A_96 : memref<32xi32, #tpu.memory_space<hbm>>) target(%arg14 : memref<32xi32, #tpu.memory_space<vmem>>) target_semaphore(%run_scoped3A : memref<!tpu.dma_semaphore, #tpu.memory_space<semaphore_mem>>)
      %dma_wait3A_97 = tpu.memref_slice %arg4[%mul3A_4] : memref<1024xi32, #tpu.memory_space<hbm>> -> memref<32xi32, #tpu.memory_space<hbm>>
      %dma_wait3A_98 = tpu.memref_slice %arg4[%mul3A_4] : memref<1024xi32, #tpu.memory_space<hbm>> -> memref<32xi32, #tpu.memory_space<hbm>>
      tpu.wait_dma2 semaphore(%run_scoped3A : memref<!tpu.dma_semaphore, #tpu.memory_space<semaphore_mem>>) src(%dma_wait3A_98 : memref<32xi32, #tpu.memory_space<hbm>>) dst(%arg14 : memref<32xi32, #tpu.memory_space<vmem>>)
      tpu.yield
    }) : () -> ()
    %dma_start3A = arith.constant 0 : i32
    %dma_start3A_5 = arith.constant 0 : i32
    %dma_start3A_6 = tpu.memref_slice %arg11[%dma_start3A, %dma_start3A_5] : memref<640x128xf32, #tpu.memory_space<vmem>> -> memref<128x128xf32, #tpu.memory_space<vmem>>
    %dma_start3A_7 = arith.constant 0 : i32
    %dma_start3A_8 = tpu.memref_slice %arg10[%dma_start3A_7] : memref<640xi32, #tpu.memory_space<vmem>> -> memref<128xi32, #tpu.memory_space<vmem>>
    %dma_start3A_9 = arith.constant 0 : i32
    %dma_start3A_10 = arith.constant 0 : i32
    %dma_start3A_11 = tpu.memref_slice %arg6[%dma_start3A_9, %dma_start3A_10] : memref<100000x128xf32, #tpu.memory_space<hbm>> -> memref<100000x128xf32, #tpu.memory_space<hbm>>
    tpu.enqueue_indirect_dma source(%dma_start3A_11 : memref<100000x128xf32, #tpu.memory_space<hbm>>) target(%dma_start3A_6 : memref<128x128xf32, #tpu.memory_space<vmem>>) offsets(%dma_start3A_8 : memref<128xi32, #tpu.memory_space<vmem>>) semaphore(%arg16 : memref<!tpu.dma_semaphore, #tpu.memory_space<semaphore_mem>>)
    %dma_start3A_12 = arith.constant 128 : i32
    %dma_start3A_13 = arith.constant 0 : i32
    %dma_start3A_14 = tpu.memref_slice %arg11[%dma_start3A_12, %dma_start3A_13] : memref<640x128xf32, #tpu.memory_space<vmem>> -> memref<128x128xf32, #tpu.memory_space<vmem>>
    %dma_start3A_15 = arith.constant 128 : i32
    %dma_start3A_16 = tpu.memref_slice %arg10[%dma_start3A_15] : memref<640xi32, #tpu.memory_space<vmem>> -> memref<128xi32, #tpu.memory_space<vmem>>
    %dma_start3A_17 = arith.constant 0 : i32
    %dma_start3A_18 = arith.constant 0 : i32
    %dma_start3A_19 = tpu.memref_slice %arg6[%dma_start3A_17, %dma_start3A_18] : memref<100000x128xf32, #tpu.memory_space<hbm>> -> memref<100000x128xf32, #tpu.memory_space<hbm>>
    tpu.enqueue_indirect_dma source(%dma_start3A_19 : memref<100000x128xf32, #tpu.memory_space<hbm>>) target(%dma_start3A_14 : memref<128x128xf32, #tpu.memory_space<vmem>>) offsets(%dma_start3A_16 : memref<128xi32, #tpu.memory_space<vmem>>) semaphore(%arg16 : memref<!tpu.dma_semaphore, #tpu.memory_space<semaphore_mem>>)
    %dma_start3A_20 = arith.constant 256 : i32
    %dma_start3A_21 = arith.constant 0 : i32
    %dma_start3A_22 = tpu.memref_slice %arg11[%dma_start3A_20, %dma_start3A_21] : memref<640x128xf32, #tpu.memory_space<vmem>> -> memref<128x128xf32, #tpu.memory_space<vmem>>
    %dma_start3A_23 = arith.constant 256 : i32
    %dma_start3A_24 = tpu.memref_slice %arg10[%dma_start3A_23] : memref<640xi32, #tpu.memory_space<vmem>> -> memref<128xi32, #tpu.memory_space<vmem>>
    %dma_start3A_25 = arith.constant 0 : i32
    %dma_start3A_26 = arith.constant 0 : i32
    %dma_start3A_27 = tpu.memref_slice %arg6[%dma_start3A_25, %dma_start3A_26] : memref<100000x128xf32, #tpu.memory_space<hbm>> -> memref<100000x128xf32, #tpu.memory_space<hbm>>
    tpu.enqueue_indirect_dma source(%dma_start3A_27 : memref<100000x128xf32, #tpu.memory_space<hbm>>) target(%dma_start3A_22 : memref<128x128xf32, #tpu.memory_space<vmem>>) offsets(%dma_start3A_24 : memref<128xi32, #tpu.memory_space<vmem>>) semaphore(%arg16 : memref<!tpu.dma_semaphore, #tpu.memory_space<semaphore_mem>>)
    %dma_start3A_28 = arith.constant 384 : i32
    %dma_start3A_29 = arith.constant 0 : i32
    %dma_start3A_30 = tpu.memref_slice %arg11[%dma_start3A_28, %dma_start3A_29] : memref<640x128xf32, #tpu.memory_space<vmem>> -> memref<128x128xf32, #tpu.memory_space<vmem>>
    %dma_start3A_31 = arith.constant 384 : i32
    %dma_start3A_32 = tpu.memref_slice %arg10[%dma_start3A_31] : memref<640xi32, #tpu.memory_space<vmem>> -> memref<128xi32, #tpu.memory_space<vmem>>
    %dma_start3A_33 = arith.constant 0 : i32
    %dma_start3A_34 = arith.constant 0 : i32
    %dma_start3A_35 = tpu.memref_slice %arg6[%dma_start3A_33, %dma_start3A_34] : memref<100000x128xf32, #tpu.memory_space<hbm>> -> memref<100000x128xf32, #tpu.memory_space<hbm>>
    tpu.enqueue_indirect_dma source(%dma_start3A_35 : memref<100000x128xf32, #tpu.memory_space<hbm>>) target(%dma_start3A_30 : memref<128x128xf32, #tpu.memory_space<vmem>>) offsets(%dma_start3A_32 : memref<128xi32, #tpu.memory_space<vmem>>) semaphore(%arg16 : memref<!tpu.dma_semaphore, #tpu.memory_space<semaphore_mem>>)
    %dma_start3A_36 = arith.constant 512 : i32
    %dma_start3A_37 = arith.constant 0 : i32
    %dma_start3A_38 = tpu.memref_slice %arg11[%dma_start3A_36, %dma_start3A_37] : memref<640x128xf32, #tpu.memory_space<vmem>> -> memref<128x128xf32, #tpu.memory_space<vmem>>
    %dma_start3A_39 = arith.constant 512 : i32
    %dma_start3A_40 = tpu.memref_slice %arg10[%dma_start3A_39] : memref<640xi32, #tpu.memory_space<vmem>> -> memref<128xi32, #tpu.memory_space<vmem>>
    %dma_start3A_41 = arith.constant 0 : i32
    %dma_start3A_42 = arith.constant 0 : i32
    %dma_start3A_43 = tpu.memref_slice %arg6[%dma_start3A_41, %dma_start3A_42] : memref<100000x128xf32, #tpu.memory_space<hbm>> -> memref<100000x128xf32, #tpu.memory_space<hbm>>
    tpu.enqueue_indirect_dma source(%dma_start3A_43 : memref<100000x128xf32, #tpu.memory_space<hbm>>) target(%dma_start3A_38 : memref<128x128xf32, #tpu.memory_space<vmem>>) offsets(%dma_start3A_40 : memref<128xi32, #tpu.memory_space<vmem>>) semaphore(%arg16 : memref<!tpu.dma_semaphore, #tpu.memory_space<semaphore_mem>>)
    %dma_start3A_44 = arith.constant 0 : i32
    %dma_start3A_45 = arith.constant 0 : i32
    %dma_start3A_46 = tpu.memref_slice %arg5[%dma_start3A_44, %dma_start3A_45] : memref<100000x128xf32, #tpu.memory_space<hbm>> -> memref<100000x128xf32, #tpu.memory_space<hbm>>
    tpu.enqueue_indirect_dma source(%dma_start3A_46 : memref<100000x128xf32, #tpu.memory_space<hbm>>) target(%arg13 : memref<32x128xf32, #tpu.memory_space<vmem>>) offsets(%arg12 : memref<32xi32, #tpu.memory_space<vmem>>) semaphore(%arg16 : memref<!tpu.dma_semaphore, #tpu.memory_space<semaphore_mem>>)
    %dma_start3A_47 = arith.constant 0 : i32
    %dma_start3A_48 = arith.constant 0 : i32
    %dma_start3A_49 = tpu.memref_slice %arg6[%dma_start3A_47, %dma_start3A_48] : memref<100000x128xf32, #tpu.memory_space<hbm>> -> memref<100000x128xf32, #tpu.memory_space<hbm>>
    tpu.enqueue_indirect_dma source(%dma_start3A_49 : memref<100000x128xf32, #tpu.memory_space<hbm>>) target(%arg15 : memref<32x128xf32, #tpu.memory_space<vmem>>) offsets(%arg14 : memref<32xi32, #tpu.memory_space<vmem>>) semaphore(%arg16 : memref<!tpu.dma_semaphore, #tpu.memory_space<semaphore_mem>>)
    %dma_wait3A = arith.constant 0 : i32
    %dma_wait3A_50 = arith.constant 0 : i32
    %dma_wait3A_51 = tpu.memref_slice %arg11[%dma_wait3A, %dma_wait3A_50] : memref<640x128xf32, #tpu.memory_space<vmem>> -> memref<128x128xf32, #tpu.memory_space<vmem>>
    %dma_wait3A_52 = arith.constant 0 : i32
    %dma_wait3A_53 = tpu.memref_slice %arg10[%dma_wait3A_52] : memref<640xi32, #tpu.memory_space<vmem>> -> memref<128xi32, #tpu.memory_space<vmem>>
    %dma_wait3A_54 = arith.constant 0 : i32
    %dma_wait3A_55 = arith.constant 0 : i32
    %dma_wait3A_56 = tpu.memref_slice %arg6[%dma_wait3A_54, %dma_wait3A_55] : memref<100000x128xf32, #tpu.memory_space<hbm>> -> memref<100000x128xf32, #tpu.memory_space<hbm>>
    tpu.wait_indirect_dma semaphore(%arg16 : memref<!tpu.dma_semaphore, #tpu.memory_space<semaphore_mem>>) src(%dma_wait3A_56 : memref<100000x128xf32, #tpu.memory_space<hbm>>) dst(%dma_wait3A_51 : memref<128x128xf32, #tpu.memory_space<vmem>>)
    %dma_wait3A_57 = arith.constant 128 : i32
    %dma_wait3A_58 = arith.constant 0 : i32
    %dma_wait3A_59 = tpu.memref_slice %arg11[%dma_wait3A_57, %dma_wait3A_58] : memref<640x128xf32, #tpu.memory_space<vmem>> -> memref<128x128xf32, #tpu.memory_space<vmem>>
    %dma_wait3A_60 = arith.constant 128 : i32
    %dma_wait3A_61 = tpu.memref_slice %arg10[%dma_wait3A_60] : memref<640xi32, #tpu.memory_space<vmem>> -> memref<128xi32, #tpu.memory_space<vmem>>
    %dma_wait3A_62 = arith.constant 0 : i32
    %dma_wait3A_63 = arith.constant 0 : i32
    %dma_wait3A_64 = tpu.memref_slice %arg6[%dma_wait3A_62, %dma_wait3A_63] : memref<100000x128xf32, #tpu.memory_space<hbm>> -> memref<100000x128xf32, #tpu.memory_space<hbm>>
    tpu.wait_indirect_dma semaphore(%arg16 : memref<!tpu.dma_semaphore, #tpu.memory_space<semaphore_mem>>) src(%dma_wait3A_64 : memref<100000x128xf32, #tpu.memory_space<hbm>>) dst(%dma_wait3A_59 : memref<128x128xf32, #tpu.memory_space<vmem>>)
    %dma_wait3A_65 = arith.constant 256 : i32
    %dma_wait3A_66 = arith.constant 0 : i32
    %dma_wait3A_67 = tpu.memref_slice %arg11[%dma_wait3A_65, %dma_wait3A_66] : memref<640x128xf32, #tpu.memory_space<vmem>> -> memref<128x128xf32, #tpu.memory_space<vmem>>
    %dma_wait3A_68 = arith.constant 256 : i32
    %dma_wait3A_69 = tpu.memref_slice %arg10[%dma_wait3A_68] : memref<640xi32, #tpu.memory_space<vmem>> -> memref<128xi32, #tpu.memory_space<vmem>>
    %dma_wait3A_70 = arith.constant 0 : i32
    %dma_wait3A_71 = arith.constant 0 : i32
    %dma_wait3A_72 = tpu.memref_slice %arg6[%dma_wait3A_70, %dma_wait3A_71] : memref<100000x128xf32, #tpu.memory_space<hbm>> -> memref<100000x128xf32, #tpu.memory_space<hbm>>
    tpu.wait_indirect_dma semaphore(%arg16 : memref<!tpu.dma_semaphore, #tpu.memory_space<semaphore_mem>>) src(%dma_wait3A_72 : memref<100000x128xf32, #tpu.memory_space<hbm>>) dst(%dma_wait3A_67 : memref<128x128xf32, #tpu.memory_space<vmem>>)
    %dma_wait3A_73 = arith.constant 384 : i32
    %dma_wait3A_74 = arith.constant 0 : i32
    %dma_wait3A_75 = tpu.memref_slice %arg11[%dma_wait3A_73, %dma_wait3A_74] : memref<640x128xf32, #tpu.memory_space<vmem>> -> memref<128x128xf32, #tpu.memory_space<vmem>>
    %dma_wait3A_76 = arith.constant 384 : i32
    %dma_wait3A_77 = tpu.memref_slice %arg10[%dma_wait3A_76] : memref<640xi32, #tpu.memory_space<vmem>> -> memref<128xi32, #tpu.memory_space<vmem>>
    %dma_wait3A_78 = arith.constant 0 : i32
    %dma_wait3A_79 = arith.constant 0 : i32
    %dma_wait3A_80 = tpu.memref_slice %arg6[%dma_wait3A_78, %dma_wait3A_79] : memref<100000x128xf32, #tpu.memory_space<hbm>> -> memref<100000x128xf32, #tpu.memory_space<hbm>>
    tpu.wait_indirect_dma semaphore(%arg16 : memref<!tpu.dma_semaphore, #tpu.memory_space<semaphore_mem>>) src(%dma_wait3A_80 : memref<100000x128xf32, #tpu.memory_space<hbm>>) dst(%dma_wait3A_75 : memref<128x128xf32, #tpu.memory_space<vmem>>)
    %dma_wait3A_81 = arith.constant 512 : i32
    %dma_wait3A_82 = arith.constant 0 : i32
    %dma_wait3A_83 = tpu.memref_slice %arg11[%dma_wait3A_81, %dma_wait3A_82] : memref<640x128xf32, #tpu.memory_space<vmem>> -> memref<128x128xf32, #tpu.memory_space<vmem>>
    %dma_wait3A_84 = arith.constant 512 : i32
    %dma_wait3A_85 = tpu.memref_slice %arg10[%dma_wait3A_84] : memref<640xi32, #tpu.memory_space<vmem>> -> memref<128xi32, #tpu.memory_space<vmem>>
    %dma_wait3A_86 = arith.constant 0 : i32
    %dma_wait3A_87 = arith.constant 0 : i32
    %dma_wait3A_88 = tpu.memref_slice %arg6[%dma_wait3A_86, %dma_wait3A_87] : memref<100000x128xf32, #tpu.memory_space<hbm>> -> memref<100000x128xf32, #tpu.memory_space<hbm>>
    tpu.wait_indirect_dma semaphore(%arg16 : memref<!tpu.dma_semaphore, #tpu.memory_space<semaphore_mem>>) src(%dma_wait3A_88 : memref<100000x128xf32, #tpu.memory_space<hbm>>) dst(%dma_wait3A_83 : memref<128x128xf32, #tpu.memory_space<vmem>>)
    %dma_wait3A_89 = arith.constant 0 : i32
    %dma_wait3A_90 = arith.constant 0 : i32
    %dma_wait3A_91 = tpu.memref_slice %arg5[%dma_wait3A_89, %dma_wait3A_90] : memref<100000x128xf32, #tpu.memory_space<hbm>> -> memref<100000x128xf32, #tpu.memory_space<hbm>>
    tpu.wait_indirect_dma semaphore(%arg16 : memref<!tpu.dma_semaphore, #tpu.memory_space<semaphore_mem>>) src(%dma_wait3A_91 : memref<100000x128xf32, #tpu.memory_space<hbm>>) dst(%arg13 : memref<32x128xf32, #tpu.memory_space<vmem>>)
    %dma_wait3A_92 = arith.constant 0 : i32
    %dma_wait3A_93 = arith.constant 0 : i32
    %dma_wait3A_94 = tpu.memref_slice %arg6[%dma_wait3A_92, %dma_wait3A_93] : memref<100000x128xf32, #tpu.memory_space<hbm>> -> memref<100000x128xf32, #tpu.memory_space<hbm>>
    tpu.wait_indirect_dma semaphore(%arg16 : memref<!tpu.dma_semaphore, #tpu.memory_space<semaphore_mem>>) src(%dma_wait3A_94 : memref<100000x128xf32, #tpu.memory_space<hbm>>) dst(%arg15 : memref<32x128xf32, #tpu.memory_space<vmem>>)
    "tpu.region"() ({
      %run_scoped3A = tpu.sem_alloc : memref<!tpu.dma_semaphore, #tpu.memory_space<semaphore_mem>>
      %dma_start3A_95 = arith.constant 0 : i32
      %dma_start3A_96 = tpu.memref_slice %arg7[%mul3A_2, %dma_start3A_95] : memref<20480x128xf32, #tpu.memory_space<hbm>> -> memref<640x128xf32, #tpu.memory_space<hbm>>
      %dma_start3A_97 = arith.constant 0 : i32
      %dma_start3A_98 = tpu.memref_slice %arg7[%mul3A_2, %dma_start3A_97] : memref<20480x128xf32, #tpu.memory_space<hbm>> -> memref<640x128xf32, #tpu.memory_space<hbm>>
      tpu.enqueue_dma source(%arg11 : memref<640x128xf32, #tpu.memory_space<vmem>>) target(%dma_start3A_98 : memref<640x128xf32, #tpu.memory_space<hbm>>) target_semaphore(%run_scoped3A : memref<!tpu.dma_semaphore, #tpu.memory_space<semaphore_mem>>)
      %dma_wait3A_99 = arith.constant 0 : i32
      %dma_wait3A_100 = tpu.memref_slice %arg7[%mul3A_2, %dma_wait3A_99] : memref<20480x128xf32, #tpu.memory_space<hbm>> -> memref<640x128xf32, #tpu.memory_space<hbm>>
      %dma_wait3A_101 = arith.constant 0 : i32
      %dma_wait3A_102 = tpu.memref_slice %arg7[%mul3A_2, %dma_wait3A_101] : memref<20480x128xf32, #tpu.memory_space<hbm>> -> memref<640x128xf32, #tpu.memory_space<hbm>>
      tpu.wait_dma2 semaphore(%run_scoped3A : memref<!tpu.dma_semaphore, #tpu.memory_space<semaphore_mem>>) src(%arg11 : memref<640x128xf32, #tpu.memory_space<vmem>>) dst(%dma_wait3A_102 : memref<640x128xf32, #tpu.memory_space<hbm>>)
      tpu.yield
    }) : () -> ()
    "tpu.region"() ({
      %run_scoped3A = tpu.sem_alloc : memref<!tpu.dma_semaphore, #tpu.memory_space<semaphore_mem>>
      %dma_start3A_95 = arith.constant 0 : i32
      %dma_start3A_96 = tpu.memref_slice %arg8[%mul3A_4, %dma_start3A_95] : memref<1024x128xf32, #tpu.memory_space<hbm>> -> memref<32x128xf32, #tpu.memory_space<hbm>>
      %dma_start3A_97 = arith.constant 0 : i32
      %dma_start3A_98 = tpu.memref_slice %arg8[%mul3A_4, %dma_start3A_97] : memref<1024x128xf32, #tpu.memory_space<hbm>> -> memref<32x128xf32, #tpu.memory_space<hbm>>
      tpu.enqueue_dma source(%arg13 : memref<32x128xf32, #tpu.memory_space<vmem>>) target(%dma_start3A_98 : memref<32x128xf32, #tpu.memory_space<hbm>>) target_semaphore(%run_scoped3A : memref<!tpu.dma_semaphore, #tpu.memory_space<semaphore_mem>>)
      %dma_wait3A_99 = arith.constant 0 : i32
      %dma_wait3A_100 = tpu.memref_slice %arg8[%mul3A_4, %dma_wait3A_99] : memref<1024x128xf32, #tpu.memory_space<hbm>> -> memref<32x128xf32, #tpu.memory_space<hbm>>
      %dma_wait3A_101 = arith.constant 0 : i32
      %dma_wait3A_102 = tpu.memref_slice %arg8[%mul3A_4, %dma_wait3A_101] : memref<1024x128xf32, #tpu.memory_space<hbm>> -> memref<32x128xf32, #tpu.memory_space<hbm>>
      tpu.wait_dma2 semaphore(%run_scoped3A : memref<!tpu.dma_semaphore, #tpu.memory_space<semaphore_mem>>) src(%arg13 : memref<32x128xf32, #tpu.memory_space<vmem>>) dst(%dma_wait3A_102 : memref<32x128xf32, #tpu.memory_space<hbm>>)
      tpu.yield
    }) : () -> ()
    "tpu.region"() ({
      %run_scoped3A = tpu.sem_alloc : memref<!tpu.dma_semaphore, #tpu.memory_space<semaphore_mem>>
      %dma_start3A_95 = arith.constant 0 : i32
      %dma_start3A_96 = tpu.memref_slice %arg9[%mul3A_4, %dma_start3A_95] : memref<1024x128xf32, #tpu.memory_space<hbm>> -> memref<32x128xf32, #tpu.memory_space<hbm>>
      %dma_start3A_97 = arith.constant 0 : i32
      %dma_start3A_98 = tpu.memref_slice %arg9[%mul3A_4, %dma_start3A_97] : memref<1024x128xf32, #tpu.memory_space<hbm>> -> memref<32x128xf32, #tpu.memory_space<hbm>>
      tpu.enqueue_dma source(%arg15 : memref<32x128xf32, #tpu.memory_space<vmem>>) target(%dma_start3A_98 : memref<32x128xf32, #tpu.memory_space<hbm>>) target_semaphore(%run_scoped3A : memref<!tpu.dma_semaphore, #tpu.memory_space<semaphore_mem>>)
      %dma_wait3A_99 = arith.constant 0 : i32
      %dma_wait3A_100 = tpu.memref_slice %arg9[%mul3A_4, %dma_wait3A_99] : memref<1024x128xf32, #tpu.memory_space<hbm>> -> memref<32x128xf32, #tpu.memory_space<hbm>>
      %dma_wait3A_101 = arith.constant 0 : i32
      %dma_wait3A_102 = tpu.memref_slice %arg9[%mul3A_4, %dma_wait3A_101] : memref<1024x128xf32, #tpu.memory_space<hbm>> -> memref<32x128xf32, #tpu.memory_space<hbm>>
      tpu.wait_dma2 semaphore(%run_scoped3A : memref<!tpu.dma_semaphore, #tpu.memory_space<semaphore_mem>>) src(%arg15 : memref<32x128xf32, #tpu.memory_space<vmem>>) dst(%dma_wait3A_102 : memref<32x128xf32, #tpu.memory_space<hbm>>)
      tpu.yield
    }) : () -> ()
    return
  }
}

module attributes {stable_mosaic.version = 14 : i64} {
  func.func @_tc_body(%arg0: i32, %arg1: memref<1x50x32x1024xf32, #tpu.memory_space<vmem>>, %arg2: memref<1x32x1024xf32, #tpu.memory_space<vmem>>, %arg3: memref<32x1024xf32, #tpu.memory_space<vmem>>, %arg4: memref<32x1024xf32, #tpu.memory_space<vmem>>, %arg5: memref<32x1xf32, #tpu.memory_space<vmem>>, %arg6: memref<50x1600xf32, #tpu.memory_space<vmem>>, %arg7: memref<1x1xf32, #tpu.memory_space<vmem>>, %arg8: memref<32x32xf32, #tpu.memory_space<vmem>>, %arg9: memref<32x1xf32, #tpu.memory_space<vmem>>, %arg10: memref<32x32xf32, #tpu.memory_space<vmem>>, %arg11: memref<32x32xf32, #tpu.memory_space<vmem>>, %arg12: memref<32x32xf32, #tpu.memory_space<vmem>>, %arg13: memref<32x1xf32, #tpu.memory_space<vmem>>, %arg14: memref<32x32xf32, #tpu.memory_space<vmem>>, %arg15: memref<32x1xf32, #tpu.memory_space<vmem>>, %arg16: memref<32x1xf32, #tpu.memory_space<vmem>>, %arg17: memref<1x1xf32, #tpu.memory_space<vmem>>, %arg18: memref<1x1024xf32, #tpu.memory_space<vmem>>, %arg19: memref<32x1024xf32, #tpu.memory_space<vmem>>, %arg20: memref<32x1024xf32, #tpu.memory_space<vmem>>) attributes {dimension_semantics = [#tpu.dimension_semantics<arbitrary>], iteration_bounds = array<i64: 20>, scalar_prefetch = 0 : i64, scratch_operands = 2 : i64, tpu.core_type = #tpu.core_type<tc>, window_params = [{transform_indices = @transform_0, window_bounds = array<i64: 1, 50, 32, 1024>}, {transform_indices = @transform_1, window_bounds = array<i64: 1, 32, 1024>}, {pipeline_mode = #tpu.pipeline_mode<synchronous>, transform_indices = @transform_2, window_bounds = array<i64: 32, 1024>}, {pipeline_mode = #tpu.pipeline_mode<synchronous>, transform_indices = @transform_3, window_bounds = array<i64: 32, 1024>}, {pipeline_mode = #tpu.pipeline_mode<synchronous>, transform_indices = @transform_4, window_bounds = array<i64: 32, 1>}, {pipeline_mode = #tpu.pipeline_mode<synchronous>, transform_indices = @transform_5, window_bounds = array<i64: 50, 1600>}, {pipeline_mode = #tpu.pipeline_mode<synchronous>, transform_indices = @transform_6, window_bounds = array<i64: 1, 1>}, {pipeline_mode = #tpu.pipeline_mode<synchronous>, transform_indices = @transform_7, window_bounds = array<i64: 32, 32>}, {pipeline_mode = #tpu.pipeline_mode<synchronous>, transform_indices = @transform_8, window_bounds = array<i64: 32, 1>}, {pipeline_mode = #tpu.pipeline_mode<synchronous>, transform_indices = @transform_9, window_bounds = array<i64: 32, 32>}, {pipeline_mode = #tpu.pipeline_mode<synchronous>, transform_indices = @transform_10, window_bounds = array<i64: 32, 32>}, {pipeline_mode = #tpu.pipeline_mode<synchronous>, transform_indices = @transform_11, window_bounds = array<i64: 32, 32>}, {pipeline_mode = #tpu.pipeline_mode<synchronous>, transform_indices = @transform_12, window_bounds = array<i64: 32, 1>}, {pipeline_mode = #tpu.pipeline_mode<synchronous>, transform_indices = @transform_13, window_bounds = array<i64: 32, 32>}, {pipeline_mode = #tpu.pipeline_mode<synchronous>, transform_indices = @transform_14, window_bounds = array<i64: 32, 1>}, {pipeline_mode = #tpu.pipeline_mode<synchronous>, transform_indices = @transform_15, window_bounds = array<i64: 32, 1>}, {pipeline_mode = #tpu.pipeline_mode<synchronous>, transform_indices = @transform_16, window_bounds = array<i64: 1, 1>}, {pipeline_mode = #tpu.pipeline_mode<synchronous>, transform_indices = @transform_17, window_bounds = array<i64: 1, 1024>}]} {
    %get3A = arith.constant 0 : index
    %get3A_0 = arith.constant 0 : index
    %get3A_1 = arith.constant 0 : index
    %get3A_2 = arith.constant 0 : index
    %get3A_3 = vector.load %arg1[%get3A, %get3A_0, %get3A_1, %get3A_2] : memref<1x50x32x1024xf32, #tpu.memory_space<vmem>>, vector<1x50x32x1024xf32>
    %get3A_4 = vector.shape_cast %get3A_3 : vector<1x50x32x1024xf32> to vector<50x32x1024xf32>
    %get3A_5 = arith.constant 0 : index
    %get3A_6 = arith.constant 0 : index
    %get3A_7 = arith.constant 0 : index
    %get3A_8 = vector.load %arg2[%get3A_5, %get3A_6, %get3A_7] : memref<1x32x1024xf32, #tpu.memory_space<vmem>>, vector<1x32x1024xf32>
    %get3A_9 = vector.shape_cast %get3A_8 : vector<1x32x1024xf32> to vector<32x1024xf32>
    %get3A_10 = arith.constant 0 : index
    %get3A_11 = arith.constant 0 : index
    %get3A_12 = vector.load %arg5[%get3A_10, %get3A_11] : memref<32x1xf32, #tpu.memory_space<vmem>>, vector<32x1xf32>
    %mul3A = vector.broadcast %get3A_12 : vector<32x1xf32> to vector<32x1024xf32>
    %mul3A_13 = arith.mulf %get3A_9, %mul3A : vector<32x1024xf32>
    %reduce_sum3A = arith.constant dense<0.000000e+00> : vector<1024xf32>
    %reduce_sum3A_14 = vector.multi_reduction <add>, %mul3A_13, %reduce_sum3A [0] : vector<32x1024xf32> to vector<1024xf32>
    %broadcast_in_dim3A = vector.shape_cast %reduce_sum3A_14 : vector<1024xf32> to vector<1x1024xf32>
    %reshape3A = vector.shape_cast %get3A_4 : vector<50x32x1024xf32> to vector<1600x1024xf32>
    %get3A_15 = arith.constant 0 : index
    %get3A_16 = arith.constant 0 : index
    %get3A_17 = vector.load %arg6[%get3A_15, %get3A_16] : memref<50x1600xf32, #tpu.memory_space<vmem>>, vector<50x1600xf32>
    %dot_general3A = arith.constant dense<0.000000e+00> : vector<50x1024xf32>
    %dot_general3A_18 = tpu.matmul %get3A_17, %reshape3A, %dot_general3A {dimension_numbers = #tpu.dot_dimension_numbers<[1], [0], [0], [1], [0, 0, 1, 1], [], []>, transpose_lhs_hint = false} : vector<50x1600xf32>, vector<1600x1024xf32>, vector<50x1024xf32> -> vector<50x1024xf32>
    %add3A = vector.broadcast %broadcast_in_dim3A : vector<1x1024xf32> to vector<50x1024xf32>
    %add3A_19 = arith.addf %dot_general3A_18, %add3A : vector<50x1024xf32>
    %get3A_20 = arith.constant 0 : index
    %get3A_21 = arith.constant 0 : index
    %get3A_22 = vector.load %arg7[%get3A_20, %get3A_21] : memref<1x1xf32, #tpu.memory_space<vmem>>, vector<1x1xf32>
    %add3A_23 = vector.broadcast %get3A_22 : vector<1x1xf32> to vector<50x1024xf32>
    %add3A_24 = arith.addf %add3A_19, %add3A_23 : vector<50x1024xf32>
    %max3A = arith.constant 0.000000e+00 : f32
    %max3A_25 = vector.broadcast %max3A : f32 to vector<50x1024xf32>
    %max3A_26 = arith.maximumf %add3A_24, %max3A_25 : vector<50x1024xf32>
    %exp3A = math.exp %max3A_26 : vector<50x1024xf32>
    %reduce_sum3A_27 = arith.constant dense<0.000000e+00> : vector<1024xf32>
    %reduce_sum3A_28 = vector.multi_reduction <add>, %exp3A, %reduce_sum3A_27 [0] : vector<50x1024xf32> to vector<1024xf32>
    %broadcast_in_dim3A_29 = vector.shape_cast %reduce_sum3A_28 : vector<1024xf32> to vector<1x1024xf32>
    %broadcast_in_dim3A_30 = vector.shape_cast %exp3A : vector<50x1024xf32> to vector<50x1x1024xf32>
    %mul3A_31 = vector.broadcast %broadcast_in_dim3A_30 : vector<50x1x1024xf32> to vector<50x32x1024xf32>
    %mul3A_32 = arith.mulf %mul3A_31, %get3A_4 : vector<50x32x1024xf32>
    %reduce_sum3A_33 = arith.constant dense<0.000000e+00> : vector<32x1024xf32>
    %reduce_sum3A_34 = vector.multi_reduction <add>, %mul3A_32, %reduce_sum3A_33 [0] : vector<50x32x1024xf32> to vector<32x1024xf32>
    %div3A = arith.constant 1.000000e+00 : f32
    %div3A_35 = vector.broadcast %div3A : f32 to vector<1x1024xf32>
    %div3A_36 = arith.divf %div3A_35, %broadcast_in_dim3A_29 : vector<1x1024xf32>
    %mul3A_37 = vector.broadcast %div3A_36 : vector<1x1024xf32> to vector<32x1024xf32>
    %mul3A_38 = arith.mulf %reduce_sum3A_34, %mul3A_37 : vector<32x1024xf32>
    %eq3A = arith.constant 0 : i32
    %eq3A_39 = arith.cmpi eq, %arg0, %eq3A : i32
    %convert_element_type3A = arith.extui %eq3A_39 : i1 to i32
    %cond3A = arith.constant 0 : i32
    %cond3A_40 = arith.cmpi ne, %convert_element_type3A, %cond3A : i32
    scf.if %cond3A_40 {
      %swap3A = arith.constant 0 : index
      %swap3A_50 = arith.constant 0 : index
      %swap3A_51 = vector.load %arg19[%swap3A, %swap3A_50] : memref<32x1024xf32, #tpu.memory_space<vmem>>, vector<32x1024xf32>
      tpu.vector_store %arg19[%swap3A, %swap3A_50], %mul3A_38 {strides = array<i32>} : memref<32x1024xf32, #tpu.memory_space<vmem>>, vector<32x1024xf32>,
      %swap3A_52 = arith.constant 0 : index
      %swap3A_53 = arith.constant 0 : index
      %swap3A_54 = vector.load %arg20[%swap3A_52, %swap3A_53] : memref<32x1024xf32, #tpu.memory_space<vmem>>, vector<32x1024xf32>
      tpu.vector_store %arg20[%swap3A_52, %swap3A_53], %get3A_9 {strides = array<i32>} : memref<32x1024xf32, #tpu.memory_space<vmem>>, vector<32x1024xf32>,
    } else {
    }
    %gt3A = arith.constant 0 : i32
    %gt3A_41 = arith.cmpi sgt, %arg0, %gt3A : i32
    %convert_element_type3A_42 = arith.extui %gt3A_41 : i1 to i32
    %cond3A_43 = arith.constant 0 : i32
    %cond3A_44 = arith.cmpi ne, %convert_element_type3A_42, %cond3A_43 : i32
    scf.if %cond3A_44 {
      %get3A_50 = arith.constant 0 : index
      %get3A_51 = arith.constant 0 : index
      %get3A_52 = vector.load %arg19[%get3A_50, %get3A_51] : memref<32x1024xf32, #tpu.memory_space<vmem>>, vector<32x1024xf32>
      %add3A_53 = arith.addf %get3A_52, %mul3A_38 : vector<32x1024xf32>
      %swap3A = arith.constant 0 : index
      %swap3A_54 = arith.constant 0 : index
      %swap3A_55 = vector.load %arg19[%swap3A, %swap3A_54] : memref<32x1024xf32, #tpu.memory_space<vmem>>, vector<32x1024xf32>
      tpu.vector_store %arg19[%swap3A, %swap3A_54], %add3A_53 {strides = array<i32>} : memref<32x1024xf32, #tpu.memory_space<vmem>>, vector<32x1024xf32>,
      %get3A_56 = arith.constant 0 : index
      %get3A_57 = arith.constant 0 : index
      %get3A_58 = vector.load %arg20[%get3A_56, %get3A_57] : memref<32x1024xf32, #tpu.memory_space<vmem>>, vector<32x1024xf32>
      %add3A_59 = arith.addf %get3A_58, %get3A_9 : vector<32x1024xf32>
      %swap3A_60 = arith.constant 0 : index
      %swap3A_61 = arith.constant 0 : index
      %swap3A_62 = vector.load %arg20[%swap3A_60, %swap3A_61] : memref<32x1024xf32, #tpu.memory_space<vmem>>, vector<32x1024xf32>
      tpu.vector_store %arg20[%swap3A_60, %swap3A_61], %add3A_59 {strides = array<i32>} : memref<32x1024xf32, #tpu.memory_space<vmem>>, vector<32x1024xf32>,
    } else {
    }
    %eq3A_45 = arith.constant 19 : i32
    %eq3A_46 = arith.cmpi eq, %arg0, %eq3A_45 : i32
    %convert_element_type3A_47 = arith.extui %eq3A_46 : i1 to i32
    %cond3A_48 = arith.constant 0 : i32
    %cond3A_49 = arith.cmpi ne, %convert_element_type3A_47, %cond3A_48 : i32
    scf.if %cond3A_49 {
      %get3A_50 = arith.constant 0 : index
      %get3A_51 = arith.constant 0 : index
      %get3A_52 = vector.load %arg19[%get3A_50, %get3A_51] : memref<32x1024xf32, #tpu.memory_space<vmem>>, vector<32x1024xf32>
      %mul3A_53 = arith.constant 5.000000e-02 : f32
      %mul3A_54 = vector.broadcast %mul3A_53 : f32 to vector<32x1024xf32>
      %mul3A_55 = arith.mulf %get3A_52, %mul3A_54 : vector<32x1024xf32>
      %get3A_56 = arith.constant 0 : index
      %get3A_57 = arith.constant 0 : index
      %get3A_58 = vector.load %arg20[%get3A_56, %get3A_57] : memref<32x1024xf32, #tpu.memory_space<vmem>>, vector<32x1024xf32>
      %mul3A_59 = arith.constant 5.000000e-02 : f32
      %mul3A_60 = vector.broadcast %mul3A_59 : f32 to vector<32x1024xf32>
      %mul3A_61 = arith.mulf %get3A_58, %mul3A_60 : vector<32x1024xf32>
      %get3A_62 = arith.constant 0 : index
      %get3A_63 = arith.constant 0 : index
      %get3A_64 = vector.load %arg8[%get3A_62, %get3A_63] : memref<32x32xf32, #tpu.memory_space<vmem>>, vector<32x32xf32>
      %dot_general3A_65 = arith.constant dense<0.000000e+00> : vector<32x1024xf32>
      %dot_general3A_66 = tpu.matmul %get3A_64, %mul3A_55, %dot_general3A_65 {dimension_numbers = #tpu.dot_dimension_numbers<[1], [0], [0], [1], [0, 0, 1, 1], [], []>, transpose_lhs_hint = false} : vector<32x32xf32>, vector<32x1024xf32>, vector<32x1024xf32> -> vector<32x1024xf32>
      %add3A_67 = arith.addf %mul3A_61, %dot_general3A_66 : vector<32x1024xf32>
      %get3A_68 = arith.constant 0 : index
      %get3A_69 = arith.constant 0 : index
      %get3A_70 = vector.load %arg9[%get3A_68, %get3A_69] : memref<32x1xf32, #tpu.memory_space<vmem>>, vector<32x1xf32>
      %add3A_71 = vector.broadcast %get3A_70 : vector<32x1xf32> to vector<32x1024xf32>
      %add3A_72 = arith.addf %add3A_67, %add3A_71 : vector<32x1024xf32>
      %get3A_73 = arith.constant 0 : index
      %get3A_74 = arith.constant 0 : index
      %get3A_75 = vector.load %arg10[%get3A_73, %get3A_74] : memref<32x32xf32, #tpu.memory_space<vmem>>, vector<32x32xf32>
      %get3A_76 = arith.constant 0 : index
      %get3A_77 = arith.constant 0 : index
      %get3A_78 = vector.load %arg3[%get3A_76, %get3A_77] : memref<32x1024xf32, #tpu.memory_space<vmem>>, vector<32x1024xf32>
      %dot_general3A_79 = arith.constant dense<0.000000e+00> : vector<32x1024xf32>
      %dot_general3A_80 = tpu.matmul %get3A_75, %get3A_78, %dot_general3A_79 {dimension_numbers = #tpu.dot_dimension_numbers<[1], [0], [0], [1], [0, 0, 1, 1], [], []>, transpose_lhs_hint = false} : vector<32x32xf32>, vector<32x1024xf32>, vector<32x1024xf32> -> vector<32x1024xf32>
      %get3A_81 = arith.constant 0 : index
      %get3A_82 = arith.constant 0 : index
      %get3A_83 = vector.load %arg11[%get3A_81, %get3A_82] : memref<32x32xf32, #tpu.memory_space<vmem>>, vector<32x32xf32>
      %dot_general3A_84 = arith.constant dense<0.000000e+00> : vector<32x1024xf32>
      %dot_general3A_85 = tpu.matmul %get3A_83, %add3A_72, %dot_general3A_84 {dimension_numbers = #tpu.dot_dimension_numbers<[1], [0], [0], [1], [0, 0, 1, 1], [], []>, transpose_lhs_hint = false} : vector<32x32xf32>, vector<32x1024xf32>, vector<32x1024xf32> -> vector<32x1024xf32>
      %add3A_86 = arith.addf %dot_general3A_80, %dot_general3A_85 : vector<32x1024xf32>
      %get3A_87 = arith.constant 0 : index
      %get3A_88 = arith.constant 0 : index
      %get3A_89 = vector.load %arg12[%get3A_87, %get3A_88] : memref<32x32xf32, #tpu.memory_space<vmem>>, vector<32x32xf32>
      %get3A_90 = arith.constant 0 : index
      %get3A_91 = arith.constant 0 : index
      %get3A_92 = vector.load %arg4[%get3A_90, %get3A_91] : memref<32x1024xf32, #tpu.memory_space<vmem>>, vector<32x1024xf32>
      %dot_general3A_93 = arith.constant dense<0.000000e+00> : vector<32x1024xf32>
      %dot_general3A_94 = tpu.matmul %get3A_89, %get3A_92, %dot_general3A_93 {dimension_numbers = #tpu.dot_dimension_numbers<[1], [0], [0], [1], [0, 0, 1, 1], [], []>, transpose_lhs_hint = false} : vector<32x32xf32>, vector<32x1024xf32>, vector<32x1024xf32> -> vector<32x1024xf32>
      %add3A_95 = arith.addf %add3A_86, %dot_general3A_94 : vector<32x1024xf32>
      %get3A_96 = arith.constant 0 : index
      %get3A_97 = arith.constant 0 : index
      %get3A_98 = vector.load %arg13[%get3A_96, %get3A_97] : memref<32x1xf32, #tpu.memory_space<vmem>>, vector<32x1xf32>
      %add3A_99 = vector.broadcast %get3A_98 : vector<32x1xf32> to vector<32x1024xf32>
      %add3A_100 = arith.addf %add3A_95, %add3A_99 : vector<32x1024xf32>
      %max3A_101 = arith.constant 0.000000e+00 : f32
      %max3A_102 = vector.broadcast %max3A_101 : f32 to vector<32x1024xf32>
      %max3A_103 = arith.maximumf %add3A_100, %max3A_102 : vector<32x1024xf32>
      %get3A_104 = arith.constant 0 : index
      %get3A_105 = arith.constant 0 : index
      %get3A_106 = vector.load %arg14[%get3A_104, %get3A_105] : memref<32x32xf32, #tpu.memory_space<vmem>>, vector<32x32xf32>
      %dot_general3A_107 = arith.constant dense<0.000000e+00> : vector<32x1024xf32>
      %dot_general3A_108 = tpu.matmul %get3A_106, %max3A_103, %dot_general3A_107 {dimension_numbers = #tpu.dot_dimension_numbers<[1], [0], [0], [1], [0, 0, 1, 1], [], []>, transpose_lhs_hint = false} : vector<32x32xf32>, vector<32x1024xf32>, vector<32x1024xf32> -> vector<32x1024xf32>
      %get3A_109 = arith.constant 0 : index
      %get3A_110 = arith.constant 0 : index
      %get3A_111 = vector.load %arg15[%get3A_109, %get3A_110] : memref<32x1xf32, #tpu.memory_space<vmem>>, vector<32x1xf32>
      %add3A_112 = vector.broadcast %get3A_111 : vector<32x1xf32> to vector<32x1024xf32>
      %add3A_113 = arith.addf %dot_general3A_108, %add3A_112 : vector<32x1024xf32>
      %max3A_114 = arith.constant 0.000000e+00 : f32
      %max3A_115 = vector.broadcast %max3A_114 : f32 to vector<32x1024xf32>
      %max3A_116 = arith.maximumf %add3A_113, %max3A_115 : vector<32x1024xf32>
      %get3A_117 = arith.constant 0 : index
      %get3A_118 = arith.constant 0 : index
      %get3A_119 = vector.load %arg16[%get3A_117, %get3A_118] : memref<32x1xf32, #tpu.memory_space<vmem>>, vector<32x1xf32>
      %mul3A_120 = vector.broadcast %get3A_119 : vector<32x1xf32> to vector<32x1024xf32>
      %mul3A_121 = arith.mulf %max3A_116, %mul3A_120 : vector<32x1024xf32>
      %reduce_sum3A_122 = arith.constant dense<0.000000e+00> : vector<1024xf32>
      %reduce_sum3A_123 = vector.multi_reduction <add>, %mul3A_121, %reduce_sum3A_122 [0] : vector<32x1024xf32> to vector<1024xf32>
      %broadcast_in_dim3A_124 = vector.shape_cast %reduce_sum3A_123 : vector<1024xf32> to vector<1x1024xf32>
      %get3A_125 = arith.constant 0 : index
      %get3A_126 = arith.constant 0 : index
      %get3A_127 = vector.load %arg17[%get3A_125, %get3A_126] : memref<1x1xf32, #tpu.memory_space<vmem>>, vector<1x1xf32>
      %add3A_128 = vector.broadcast %get3A_127 : vector<1x1xf32> to vector<1x1024xf32>
      %add3A_129 = arith.addf %broadcast_in_dim3A_124, %add3A_128 : vector<1x1024xf32>
      %neg3A = arith.constant 0.000000e+00 : f32
      %neg3A_130 = vector.broadcast %neg3A : f32 to vector<1x1024xf32>
      %neg3A_131 = arith.subf %neg3A_130, %add3A_129 : vector<1x1024xf32>
      %exp3A_132 = math.exp %neg3A_131 : vector<1x1024xf32>
      %add3A_133 = arith.constant 1.000000e+00 : f32
      %add3A_134 = vector.broadcast %add3A_133 : f32 to vector<1x1024xf32>
      %add3A_135 = arith.addf %add3A_134, %exp3A_132 : vector<1x1024xf32>
      %div3A_136 = arith.constant 1.000000e+00 : f32
      %div3A_137 = vector.broadcast %div3A_136 : f32 to vector<1x1024xf32>
      %div3A_138 = arith.divf %div3A_137, %add3A_135 : vector<1x1024xf32>
      %swap3A = arith.constant 0 : index
      %swap3A_139 = arith.constant 0 : index
      %swap3A_140 = vector.load %arg18[%swap3A, %swap3A_139] : memref<1x1024xf32, #tpu.memory_space<vmem>>, vector<1x1024xf32>
      tpu.vector_store %arg18[%swap3A, %swap3A_139], %div3A_138 {strides = array<i32>} : memref<1x1024xf32, #tpu.memory_space<vmem>>, vector<1x1024xf32>,
    } else {
    }
    return
  }
  func.func @transform_0(%arg0: i32) -> (i32, i32, i32, i32) {
    %c0_i32 = arith.constant 0 : i32
    %c0_i32_0 = arith.constant 0 : i32
    %c0_i32_1 = arith.constant 0 : i32
    %c0_i32_2 = arith.constant 0 : i32
    return %arg0, %c0_i32, %c0_i32_0, %c0_i32_1 : i32, i32, i32, i32
  }
  func.func @transform_1(%arg0: i32) -> (i32, i32, i32) {
    %c0_i32 = arith.constant 0 : i32
    %c0_i32_0 = arith.constant 0 : i32
    %c0_i32_1 = arith.constant 0 : i32
    return %arg0, %c0_i32, %c0_i32_0 : i32, i32, i32
  }
  func.func @transform_2(%arg0: i32) -> (i32, i32) {
    %c0_i32 = arith.constant 0 : i32
    %c0_i32_0 = arith.constant 0 : i32
    %c0_i32_1 = arith.constant 0 : i32
    return %c0_i32, %c0_i32_0 : i32, i32
  }
  func.func @transform_3(%arg0: i32) -> (i32, i32) {
    %c0_i32 = arith.constant 0 : i32
    %c0_i32_0 = arith.constant 0 : i32
    %c0_i32_1 = arith.constant 0 : i32
    return %c0_i32, %c0_i32_0 : i32, i32
  }
  func.func @transform_4(%arg0: i32) -> (i32, i32) {
    %c0_i32 = arith.constant 0 : i32
    %c0_i32_0 = arith.constant 0 : i32
    %c0_i32_1 = arith.constant 0 : i32
    return %c0_i32, %c0_i32_0 : i32, i32
  }
  func.func @transform_5(%arg0: i32) -> (i32, i32) {
    %c0_i32 = arith.constant 0 : i32
    %c0_i32_0 = arith.constant 0 : i32
    %c0_i32_1 = arith.constant 0 : i32
    return %c0_i32, %c0_i32_0 : i32, i32
  }
  func.func @transform_6(%arg0: i32) -> (i32, i32) {
    %c0_i32 = arith.constant 0 : i32
    %c0_i32_0 = arith.constant 0 : i32
    %c0_i32_1 = arith.constant 0 : i32
    return %c0_i32, %c0_i32_0 : i32, i32
  }
  func.func @transform_7(%arg0: i32) -> (i32, i32) {
    %c0_i32 = arith.constant 0 : i32
    %c0_i32_0 = arith.constant 0 : i32
    %c0_i32_1 = arith.constant 0 : i32
    return %c0_i32, %c0_i32_0 : i32, i32
  }
  func.func @transform_8(%arg0: i32) -> (i32, i32) {
    %c0_i32 = arith.constant 0 : i32
    %c0_i32_0 = arith.constant 0 : i32
    %c0_i32_1 = arith.constant 0 : i32
    return %c0_i32, %c0_i32_0 : i32, i32
  }
  func.func @transform_9(%arg0: i32) -> (i32, i32) {
    %c0_i32 = arith.constant 0 : i32
    %c0_i32_0 = arith.constant 0 : i32
    %c0_i32_1 = arith.constant 0 : i32
    return %c0_i32, %c0_i32_0 : i32, i32
  }
  func.func @transform_10(%arg0: i32) -> (i32, i32) {
    %c0_i32 = arith.constant 0 : i32
    %c0_i32_0 = arith.constant 0 : i32
    %c0_i32_1 = arith.constant 0 : i32
    return %c0_i32, %c0_i32_0 : i32, i32
  }
  func.func @transform_11(%arg0: i32) -> (i32, i32) {
    %c0_i32 = arith.constant 0 : i32
    %c0_i32_0 = arith.constant 0 : i32
    %c0_i32_1 = arith.constant 0 : i32
    return %c0_i32, %c0_i32_0 : i32, i32
  }
  func.func @transform_12(%arg0: i32) -> (i32, i32) {
    %c0_i32 = arith.constant 0 : i32
    %c0_i32_0 = arith.constant 0 : i32
    %c0_i32_1 = arith.constant 0 : i32
    return %c0_i32, %c0_i32_0 : i32, i32
  }
  func.func @transform_13(%arg0: i32) -> (i32, i32) {
    %c0_i32 = arith.constant 0 : i32
    %c0_i32_0 = arith.constant 0 : i32
    %c0_i32_1 = arith.constant 0 : i32
    return %c0_i32, %c0_i32_0 : i32, i32
  }
  func.func @transform_14(%arg0: i32) -> (i32, i32) {
    %c0_i32 = arith.constant 0 : i32
    %c0_i32_0 = arith.constant 0 : i32
    %c0_i32_1 = arith.constant 0 : i32
    return %c0_i32, %c0_i32_0 : i32, i32
  }
  func.func @transform_15(%arg0: i32) -> (i32, i32) {
    %c0_i32 = arith.constant 0 : i32
    %c0_i32_0 = arith.constant 0 : i32
    %c0_i32_1 = arith.constant 0 : i32
    return %c0_i32, %c0_i32_0 : i32, i32
  }
  func.func @transform_16(%arg0: i32) -> (i32, i32) {
    %c0_i32 = arith.constant 0 : i32
    %c0_i32_0 = arith.constant 0 : i32
    %c0_i32_1 = arith.constant 0 : i32
    return %c0_i32, %c0_i32_0 : i32, i32
  }
  func.func @transform_17(%arg0: i32) -> (i32, i32) {
    %c0_i32 = arith.constant 0 : i32
    %c0_i32_0 = arith.constant 0 : i32
    %c0_i32_1 = arith.constant 0 : i32
    return %c0_i32, %c0_i32_0 : i32, i32
  }
}

</mosaic_0001>

<sc_bundles>
// kernel: kernel.4.cloned.1.call-start
scs
__scs_entry_jumppad:
0x0: {  	(pc) =	sbr.rel $0x88, $3  }
0x1: {  	(tag) =	ssettag $0x0;
	lr =	simm.s32 $0x1  }
0x2: {  	[smem:$0x3F91] =	sst lr;
	_ =	strace $0xD0000000  }
0x3: {  	_ = 	snop  }
0x4: {  	_ = 	snop  }
0x5: {  	_ = 	snop  }
0x6: {  	_ = 	snop  }
0x7: {  	_ = 	snop  }
__scs_overlays_trampoline_lowered:
0x8: {  	[smem:$0x3FA0] =	sst s0  }
0x9: {  	[smem:$0x3FA1] =	sst s1  }
0xa: {  	[smem:$0x3FA2] =	sst s2  }
0xb: {  	[smem:$0x3FA3] =	sst s3  }
0xc: {  	[smem:$0x3FA4] =	sst s4  }
0xd: {  	[smem:$0x3FA5] =	sst s5  }
0xe: {  	[smem:$0x3FA6] =	sst s6  }
0xf: {  	[smem:$0x3FA7] =	sst s7  }
0x10: {  	[smem:$0x3FA8] =	sst s8  }
0x11: {  	[smem:$0x3FA9] =	sst s9;
	s0 =	simm.s32 @!p0 $0x0  }
0x12: {  	s1 =	sld [smem:$0x3F8F];
	s0 =	simm.s32 @p0 $0x1  }
0x13: {  	[smem:$0x3FAA] =	sst s0;
	s0 =	simm.s32 @!p1 $0x0  }
0x14: {  	s2 =	sld [smem:$0x3F8E];
	s0 =	simm.s32 @p1 $0x1  }
0x15: {  	[smem:$0x3FAB] =	sst s0;
	s0 =	simm.s32 @!p2 $0x0  }
0x16: {  	s3 =	sld [smem:$0x3FDB];
	s0 =	simm.s32 @p2 $0x1  }
0x17: {  	s4 =	simm.s32 $0x1BF5;
	[smem:$0x3FAD] =	sst s0  }
0x18: {  	s0 =	sld [smem:$0x3F90];
	_ =	swait.ge [sflag:s4], $0x0  }
0x19: {  	s7 =	sld [smem:$0x3F91]  }
0x1a: {  	s8 =	sadd.s32 $0xFFFFE003, lr  }
0x1b: {  	s9 =	sadd.s32 $0xFFFFFEF7, lr;
	s5 =	simm.s32 $0xFFFFFFFF;
	p2 =	slt.u32 s8, $0xFFFFF086  }
0x1c: {  	p1 =	slt.u32 s9, $0xF7A;
	s5 =	simm.s32 @!p2 $0x0  }
0x1d: {  	s5 =	simm.s32 @p1 $0x1;
	p0 =	seq.s32 s7, s2  }
0x1e: {  	s7 =	smul.u32 @!p0 $0xF7A, s2;
	p2 =	seq.s32 @!p0 s5, $0x0  }
0x1f: {  	s9 =	smul.u32 $0xF7A, s1;
	s8 =	simm.s32 @!p0 $0x1BF5;
	p2 =	por !p2, p0  }
0x20: {  	[sflag:s8] =	ssyncset.s32 @!p0 $0xFFFFF086;
	s6 =	sadd.s32 @!p0 s3, s7;
	s7 =	simm.s32 @!p0 $0x108  }
0x21: {  	s3 =	sadd.s32 s3, s9;
	s6 =	sadd.s32 @!p0 $0x88, s6;
	s7 =	simm.s32 @p2 $0x1082  }
0x22: {  	[simem:s7], [sflag:s8] =	dma.local @!p0 [hbm:s6], $0xF7A  }
0x23: {  	s9 =	sor.u32 $0xD0000000, s2;
	s6 =	simm.s32 $0x108;
	_ =	swait.ge @!p0 [sflag:s8], $0x0  }
0x24: {  	s3 =	sadd.s32 $0x88, s3;
	s6 =	simm.s32 @!p1 $0x1082;
	[sflag:s4] =	ssyncset.s32 $0xFFFFF086  }
0x25: {  	[simem:s6], [sflag:s4] =	dma.local [hbm:s3], $0xF7A  }
0x26: {  	[smem:$0x3F91] =	sst s1;
	(tag) =	ssettag s2;
	_ =	strace s9  }
0x27: {  	s1 =	sld [smem:$0x3FA1]  }
0x28: {  	s2 =	sld [smem:$0x3FA2]  }
0x29: {  	s4 =	sld [smem:$0x3FA4]  }
0x2a: {  	p0 =	seq.s32 s5, $0x0;
	s5 =	sld [smem:$0x3FA5]  }
0x2b: {  	s6 =	sld [smem:$0x3FA6]  }
0x2c: {  	s7 =	sld [smem:$0x3FA7]  }
0x2d: {  	s3 =	simm.s32 $0x108;
	s8 =	sld [smem:$0x3FA8]  }
0x2e: {  	s3 =	simm.s32 @!p0 $0x1082;
	s9 =	sld [smem:$0x3FA9]  }
0x2f: {  	lr =	sadd.s32 s0, s3;
	s0 =	sld [smem:$0x3FA0]  }
0x30: {  	s3 =	sld [smem:$0x3FA3]  }
0x31: {  	[smem:$0x3FAC] =	sst s10  }
0x32: {  	s10 =	sld [smem:$0x3FAA];
	_ =	sdelay $0x3  }
0x33: {  	p0 =	seq.s32 s10, $0x1;
	s10 =	sld [smem:$0x3FAC];
	_ =	sdelay $0x3  }
0x34: {  	[smem:$0x3FAC] =	sst s10  }
0x35: {  	s10 =	sld [smem:$0x3FAB];
	_ =	sdelay $0x3  }
0x36: {  	p1 =	seq.s32 s10, $0x1;
	s10 =	sld [smem:$0x3FAC];
	_ =	sdelay $0x3  }
0x37: {  	[smem:$0x3FAC] =	sst s10  }
0x38: {  	s10 =	sld [smem:$0x3FAD]  }
0x39: {  	_ = 	snop;
	(pc) =	sbr.ind lr, $3  }
0x3a: {  	_ = 	snop  }
0x3b: {  	_ = 	snop  }
0x3c: {  	p2 =	seq.s32 s10, $0x1;
	s10 =	sld [smem:$0x3FAC]  }
0x3d: {  	_ =	shalt  }
0x3e: {  	_ =	shalt  }
0x3f: {  	_ =	shalt  }
0x40: {  	_ =	shalt  }
0x41: {  	_ =	shalt  }
0x42: {  	_ =	shalt  }
0x43: {  	_ =	shalt  }
0x44: {  	_ =	shalt  }
0x45: {  	_ =	shalt  }
0x46: {  	_ =	shalt  }
0x47: {  	_ =	shalt  }
0x48: {  	_ =	shalt  }
0x49: {  	_ =	shalt  }
0x4a: {  	_ =	shalt  }
0x4b: {  	_ =	shalt  }
0x4c: {  	_ =	shalt  }
0x4d: {  	_ =	shalt  }
0x4e: {  	_ =	shalt  }
0x4f: {  	_ =	shalt  }
0x50: {  	_ =	shalt  }
0x51: {  	_ =	shalt  }
0x52: {  	_ =	shalt  }
0x53: {  	_ =	shalt  }
0x54: {  	_ =	shalt  }
0x55: {  	_ =	shalt  }
0x56: {  	_ =	shalt  }
0x57: {  	_ =	shalt  }
0x58: {  	_ =	shalt  }
0x59: {  	_ =	shalt  }
0x5a: {  	_ =	shalt  }
0x5b: {  	_ =	shalt  }
0x5c: {  	_ =	shalt  }
0x5d: {  	_ =	shalt  }
0x5e: {  	_ =	shalt  }
0x5f: {  	_ =	shalt  }
0x60: {  	_ =	shalt  }
0x61: {  	_ =	shalt  }
0x62: {  	_ =	shalt  }
0x63: {  	_ =	shalt  }
0x64: {  	_ =	shalt  }
0x65: {  	_ =	shalt  }
0x66: {  	_ =	shalt  }
0x67: {  	_ =	shalt  }
0x68: {  	_ =	shalt  }
0x69: {  	_ =	shalt  }
0x6a: {  	_ =	shalt  }
0x6b: {  	_ =	shalt  }
0x6c: {  	_ =	shalt  }
0x6d: {  	_ =	shalt  }
0x6e: {  	_ =	shalt  }
0x6f: {  	_ =	shalt  }
0x70: {  	_ =	shalt  }
0x71: {  	_ =	shalt  }
0x72: {  	_ =	shalt  }
0x73: {  	_ =	shalt  }
0x74: {  	_ =	shalt  }
0x75: {  	_ =	shalt  }
0x76: {  	_ =	shalt  }
0x77: {  	_ =	shalt  }
0x78: {  	_ =	shalt  }
0x79: {  	_ =	shalt  }
0x7a: {  	_ =	shalt  }
0x7b: {  	_ =	shalt  }
0x7c: {  	_ =	shalt  }
0x7d: {  	_ =	shalt  }
0x7e: {  	_ =	shalt  }
0x7f: {  	_ =	shalt  }
0x80: {  	_ =	shalt  }
0x81: {  	_ =	shalt  }
0x82: {  	_ =	shalt  }
0x83: {  	_ =	shalt  }
0x84: {  	_ =	shalt  }
0x85: {  	_ =	shalt  }
0x86: {  	_ =	shalt  }
0x87: {  	_ =	shalt  }
.Lfunc_end0:
.L_simem_size_0:
called_computation_lowered:
.L_overlay_start_0:
0x88: {  	s2 =	sld [smem:$0x3FD9]  }
0x89: {  	s3 =	sld [smem:$0x3FFE];
	_ =	sdelay $0x1  }
0x8a: {  	s1 =	srdreg.scid  }
0x8b: {  	s0 =	sand.u32 $0x1, s1  }
0x8c: {  	s17 =	sshll.u32 s0, $0xA;
	s2 =	sadd.s32 s3, s2  }
0x8d: {  	s2 =	sadd.s32 s2, s17  }
0x8e: {  	[smem:$0x3FB8] =	sst s2  }
0x8f: {  	_ = 	snop  }
0x90: {  	s2 =	sld [smem:$0x3FC9]  }
0x91: {  	s18 =	sld [smem:$0x3FC8];
	(tm) =	ssettm $0x1  }
0x92: {  	s4 =	sld [smem:$0x3FFB];
	_ =	sdelay $0x3  }
0x93: {  	_ =	strace s4  }
0x94: {  	s4 =	sld [smem:$0x3FFC];
	_ =	sdelay $0x3  }
0x95: {  	_ =	strace s4  }
0x96: {  	s4 =	sld [smem:$0x3FFD];
	_ =	sdelay $0x3  }
0x97: {  	_ =	strace s4  }
0x98: {  	_ =	strace $0x8FFFFFFF  }
0x99: {  	s19 =	sld [smem:$0x3FDB];
	_ =	sdelay $0x1  }
0x9a: {  	s5 =	simm.s32 $_scs_section_size  }
0x9b: {  	s6 =	simm.s32 $_size__tile_overlayer_lowered;
	s7 =	simm.s32 $_tile_overlayer_lowered  }
0x9c: {  	s22 =	simm.s32 $0x1BFF;
	s21 =	sshll.u32 s7, $0x1;
	s4 =	sadd.s32 s5, s19  }
0x9d: {  	s8 =	simm.s32 $0x0;
	s20 =	sshll.u32 s6, $0x1;
	s6 =	sadd.s32 s21, s4  }
0x9e: {  	[timem:s8], [sflag:s22] =	dma.local [hbm:s6], s20  }
0x9f: {  	_ =	swait.ge [sflag:s22], s20  }
0xa0: {  	s5 =	ssub.s32 $0x0, s20;
	[sflag:s22] =	ssyncset.done $0x0  }
0xa1: {  	[sflag:s22] =	ssyncadd.s32 s5;
	_ =	sdelay $0x1  }
0xa2: {  	s23 =	simm.s32 $0x1B8B  }
0xa3: {  	_ =	swait.ge [sflag:s23], $0x1  }
0xa4: {  	[sflag:s23] =	ssyncset.done $0x0  }
0xa5: {  	s25 =	simm.s32 $0x1B8E;
	s24 =	sld [smem:$0x3FFE];
	[sflag:s23] =	ssyncadd.s32 $0xFFFFFFFF  }
0xa6: {  	s26 =	simm.s32 $execute0_lowered;
	[smem:$0x3FD2] =	sst s25  }
0xa7: {  	s6 =	sshll.u32 s26, $0x1;
	_ =	strace $0x80000046;
	[dreg:$0x1] =	wrdreg $0xFFFFFFFF  }
0xa8: {  	s28 =	simm.s32 $_size_execute0_lowered;
	s4 =	sadd.s32 s4, s6;
	[dreg:$0x0] =	wrdreg $0x0  }
0xa9: {  	s6 =	sshll.u32 s28, $0x1;
	[dreg:$0x2] =	wrdreg s4  }
0xaa: {  	[dreg:$0x3] =	wrdreg s6  }
0xab: {  	[dreg:$0x4] =	wrdreg $0xC0  }
0xac: {  	_ =	task [dreg:s8], $0x5FFFF  }
0xad: {  	[dreg:$0x1] =	wrdreg $0xFFFFFFFF  }
0xae: {  	[dreg:$0x0] =	wrdreg $0x60  }
0xaf: {  	[dreg:$0x2] =	wrdreg s24  }
0xb0: {  	[dreg:$0x3] =	wrdreg s2  }
0xb1: {  	[dreg:$0x4] =	wrdreg s18  }
0xb2: {  	[dreg:$0x5] =	wrdreg $0x9  }
0xb3: {  	_ =	task.clear_ibuf [dreg:s8], $0x6FFFF;
	_ =	strace $0x90000046  }
0xb4: {  	s29 =	simm.s32 $0x9;
	_ =	strace $0x80000048  }
0xb5: {  	_ =	swait.ge [sflag:s29], $0x1  }
0xb6: {  	[sflag:s29] =	ssyncadd.s32 $0xFFFFFFFF  }
0xb7: {  	_ =	strace $0x90000048  }
0xb8: {  	_ =	sfence  }
0xb9: {  	s30 =	sld [smem:$0x0];
	_ =	sdelay $0x2  }
0xba: {  	s31 =	sshll.u32 s1, $0xD;
	s1 =	sshrl.u32 s1, $0x2  }
0xbb: {  	s3 =	sand.u32 $0x4000, s31;
	s1 =	sadd.s32 s1, s30  }
0xbc: {  	s0 =	sor.u32 s3, s0;
	s1 =	sshll.u32 s1, $0x11  }
0xbd: {  	s0 =	sor.u32 s1, s0  }
0xbe: {  	s0 =	sadd.s32 $0x8F2B, s0  }
0xbf: {  	[sflag:s0] =	ssyncadd.remote.s32 $0x1  }
0xc0: {  	_ =	sfence.sel $0xFFFF  }
0xc1: {  	[dreg:$0x0] =	wrdreg $0xFFFFFFFF;
	(pc) =	sbr.abs _section_cstart, $3  }
0xc2: {  	[dreg:$0x1] =	wrdreg $0xFFFFFFFF  }
0xc3: {  	_ =	task.clear_ibuf [dreg:s8], $0x2FFFF;
	_ =	strace $0x9FFFFFFF  }
0xc4: {  	(tm) =	ssettm $0x7FFFFFFF  }
0xc5: {  	_ =	shalt  }
tec
execute0_lowered:
.L_overlay_start_1:
0x0: {  	(tag) =	ssettag $0x1  }
0x1: {  	s1 =	srdreg.scid;
	s0 =	stileid.u32  }
0x2: {  	s26 =	rddreg [dreg:$0x0];
	s25 =	sand.u32 $0x1, s1;
	s31 =	sshll.u32 s0, $0x1  }
0x3: {  	s5 =	rddreg [dreg:$0x1];
	s28 =	sor.u32 s25, s31  }
0x4: {  	s7 =	rddreg [dreg:$0x2];
	s3 =	smul.u32 $0x50, s28  }
0x5: {  	s2 =	simm.s32 $0x0;
	s1 =	rddreg [dreg:$0x3]  }
0x6: {  	[smem:$0x7FF] =	sst s2;
	s3 =	sadd.s32 s3, s26  }
0x7: {  	_ =	strace $0x80000047;
	s4 =	sadd.s32 $0x189A00, s3;
	s3 =	simm.s32 $0x2  }
0x8: {  	[tilespmem:s2], [sflag:$0x2] =	stream.linear.gather [hbm4b:s4+s2], $0x280, $0x38;
	[tilespmem:$0x16380] =	vst v63  }
0x9: {  	_ =	swait.ge [sflag:s3], $0x280  }
0xa: {  	s8 =	sshll.u32 s28, $0x2;
	[sflag:s3] =	ssyncset.done $0x0  }
0xb: {  	s6 =	simm.s32 $0x14280;
	s5 =	sadd.s32 s5, s8;
	[sflag:s3] =	ssyncadd.s32 $0xFFFFFD80  }
0xc: {  	[tilespmem:s6], [sflag:$0x2] =	stream.linear.gather [hbm4b:s5+s2], $0x20, $0x38;
	[tilespmem:$0x16380] =	vst v63  }
0xd: {  	_ =	swait.ge [sflag:s3], $0x20  }
0xe: {  	[sflag:s3] =	ssyncset.done $0x0  }
0xf: {  	s7 =	sadd.s32 s7, s8;
	s8 =	simm.s32 $0x15300;
	[sflag:s3] =	ssyncadd.s32 $0xFFFFFFE0  }
0x10: {  	[tilespmem:s8], [sflag:$0x2] =	stream.linear.gather [hbm4b:s7+s2], $0x20, $0x38;
	[tilespmem:$0x16380] =	vst v63  }
0x11: {  	_ =	swait.ge [sflag:s3], $0x20  }
0x12: {  	s10 =	simm.s32 $0x80;
	[sflag:s3] =	ssyncset.done $0x0  }
0x13: {  	s11 =	simm.s32 $0x280;
	s9 =	sadd.s32 $0x3000, s26;
	[sflag:s3] =	ssyncadd.s32 $0xFFFFFFE0  }
0x14: {  	[tilespmem:s11], [sflag:$0x1] =	stream.indirect.gather [hbm4b:s9+s10], $0x80, s2, s10, $0xb8;
	[tilespmem:$0x16380] =	vst v63  }
0x15: {  	s12 =	simm.s32 $0x4280  }
0x16: {  	[tilespmem:s12], [sflag:$0x1] =	stream.indirect.gather [hbm4b:s9+s10], $0x80, s10, s10, $0xb8;
	[tilespmem:$0x16380] =	vst v63  }
0x17: {  	s13 =	simm.s32 $0x100;
	s14 =	simm.s32 $0x8280  }
0x18: {  	[tilespmem:s14], [sflag:$0x1] =	stream.indirect.gather [hbm4b:s9+s10], $0x80, s13, s10, $0xb8;
	[tilespmem:$0x16380] =	vst v63  }
0x19: {  	s15 =	simm.s32 $0x180;
	s16 =	simm.s32 $0xC280  }
0x1a: {  	[tilespmem:s16], [sflag:$0x1] =	stream.indirect.gather [hbm4b:s9+s10], $0x80, s15, s10, $0xb8;
	[tilespmem:$0x16380] =	vst v63  }
0x1b: {  	s17 =	simm.s32 $0x200;
	s18 =	simm.s32 $0x10280  }
0x1c: {  	[tilespmem:s18], [sflag:$0x1] =	stream.indirect.gather [hbm4b:s9+s10], $0x80, s17, s10, $0xb8;
	[tilespmem:$0x16380] =	vst v63  }
0x1d: {  	s20 =	simm.s32 $0x20;
	s21 =	simm.s32 $0x14300;
	s19 =	sadd.s32 $0x310400, s26  }
0x1e: {  	[tilespmem:s21], [sflag:$0x1] =	stream.indirect.gather [hbm4b:s19+s20], $0x80, s6, s20, $0xb8;
	[tilespmem:$0x16380] =	vst v63  }
0x1f: {  	s22 =	simm.s32 $0x15380;
	s23 =	simm.s32 $0x1  }
0x20: {  	[tilespmem:s22], [sflag:$0x1] =	stream.indirect.gather [hbm4b:s9+s20], $0x80, s8, s20, $0xb8;
	[tilespmem:$0x16380] =	vst v63  }
0x21: {  	_ =	swait.ge [sflag:s23], $0x4000  }
0x22: {  	[sflag:s23] =	ssyncset.done $0x0  }
0x23: {  	[sflag:s23] =	ssyncadd.s32 $0xFFFFC000  }
0x24: {  	_ =	swait.ge [sflag:s23], $0x4000  }
0x25: {  	[sflag:s23] =	ssyncset.done $0x0  }
0x26: {  	[sflag:s23] =	ssyncadd.s32 $0xFFFFC000  }
0x27: {  	_ =	swait.ge [sflag:s23], $0x4000  }
0x28: {  	[sflag:s23] =	ssyncset.done $0x0  }
0x29: {  	[sflag:s23] =	ssyncadd.s32 $0xFFFFC000  }
0x2a: {  	_ =	swait.ge [sflag:s23], $0x4000  }
0x2b: {  	[sflag:s23] =	ssyncset.done $0x0  }
0x2c: {  	[sflag:s23] =	ssyncadd.s32 $0xFFFFC000  }
0x2d: {  	_ =	swait.ge [sflag:s23], $0x4000  }
0x2e: {  	[sflag:s23] =	ssyncset.done $0x0  }
0x2f: {  	[sflag:s23] =	ssyncadd.s32 $0xFFFFC000  }
0x30: {  	_ =	swait.ge [sflag:s23], $0x1000  }
0x31: {  	[sflag:s23] =	ssyncset.done $0x0  }
0x32: {  	s24 =	smul.u32 $0x2800, s28;
	[sflag:s23] =	ssyncadd.s32 $0xFFFFF000  }
0x33: {  	s28 =	sshll.u32 s28, $0x9;
	_ =	swait.ge [sflag:s23], $0x1000  }
0x34: {  	s24 =	sadd.s32 s24, s26;
	s26 =	sadd.s32 s28, s26;
	[sflag:s23] =	ssyncset.done $0x0  }
0x35: {  	s28 =	ssub.s32 $0x2, s25;
	s24 =	sadd.s32 $0x192400, s24;
	[sflag:s23] =	ssyncadd.s32 $0xFFFFF000  }
0x36: {  	[hbm4b:s24+s2] =	stream.linear.scatter [tilespmem:s11], [sflag:$0x2], $0x14000, $0x38;
	[tilespmem:$0x16380] =	vst v63  }
0x37: {  	s29 =	sshrl.u32 s28, $0x1;
	_ =	swait.ge [sflag:s3], $0x14000  }
0x38: {  	s28 =	ssub.s32 s28, s29;
	[sflag:s3] =	ssyncset.done $0x0  }
0x39: {  	s25 =	sadd.s32 $0x18A400, s26;
	s28 =	smax.u32 s28, $0x1;
	[sflag:s3] =	ssyncadd.s32 $0xFFFEC000  }
0x3a: {  	[hbm4b:s25+s2] =	stream.linear.scatter [tilespmem:s21], [sflag:$0x2], $0x1000, $0x38;
	[tilespmem:$0x16380] =	vst v63  }
0x3b: {  	p0 =	sne.s32 s28, $0x1;
	_ =	swait.ge [sflag:s3], $0x1000  }
.Ltmp0:
0x3c: {  	[sflag:s3] =	ssyncset.done $0x0;
	(pc) =	sbr.rel @!p0 .LBB2_2-.Ltmp0, $4  }
0x3d: {  	s26 =	sadd.s32 $0x18E400, s26;
	[sflag:s3] =	ssyncadd.s32 $0xFFFFF000  }
0x3e: {  	[hbm4b:s26+s2] =	stream.linear.scatter [tilespmem:s22], [sflag:$0x2], $0x1000, $0x38;
	[tilespmem:$0x16380] =	vst v63  }
0x3f: {  	_ =	swait.ge [sflag:s3], $0x1000  }
0x40: {  	s28 =	sadd.s32 $0xFFFFFFFF, s28;
	[sflag:s3] =	ssyncset.done $0x0  }
.LBB2_1:
0x41: {  	p0 =	sne.s32 s28, $0x1;
	s28 =	sadd.s32 $0xFFFFFFFF, s28;
	[sflag:s3] =	ssyncadd.s32 $0xFFFFF000  }
0x42: {  	[tilespmem:s2], [sflag:$0x2] =	stream.linear.gather [hbm4b:s4+s2], $0x280, $0x38;
	[tilespmem:$0x16380] =	vst v63  }
0x43: {  	_ =	swait.ge [sflag:s3], $0x280  }
0x44: {  	[sflag:s3] =	ssyncset.done $0x0  }
0x45: {  	[sflag:s3] =	ssyncadd.s32 $0xFFFFFD80  }
0x46: {  	[tilespmem:s6], [sflag:$0x2] =	stream.linear.gather [hbm4b:s5+s2], $0x20, $0x38;
	[tilespmem:$0x16380] =	vst v63  }
0x47: {  	_ =	swait.ge [sflag:s3], $0x20  }
0x48: {  	[sflag:s3] =	ssyncset.done $0x0  }
0x49: {  	[sflag:s3] =	ssyncadd.s32 $0xFFFFFFE0  }
0x4a: {  	[tilespmem:s8], [sflag:$0x2] =	stream.linear.gather [hbm4b:s7+s2], $0x20, $0x38;
	[tilespmem:$0x16380] =	vst v63  }
0x4b: {  	_ =	swait.ge [sflag:s3], $0x20  }
0x4c: {  	[sflag:s3] =	ssyncset.done $0x0  }
0x4d: {  	[sflag:s3] =	ssyncadd.s32 $0xFFFFFFE0  }
0x4e: {  	[tilespmem:s11], [sflag:$0x1] =	stream.indirect.gather [hbm4b:s9+s10], $0x80, s2, s10, $0xb8;
	[tilespmem:$0x16380] =	vst v63  }
0x4f: {  	_ = 	snop  }
0x50: {  	[tilespmem:s12], [sflag:$0x1] =	stream.indirect.gather [hbm4b:s9+s10], $0x80, s10, s10, $0xb8;
	[tilespmem:$0x16380] =	vst v63  }
0x51: {  	_ = 	snop  }
0x52: {  	[tilespmem:s14], [sflag:$0x1] =	stream.indirect.gather [hbm4b:s9+s10], $0x80, s13, s10, $0xb8;
	[tilespmem:$0x16380] =	vst v63  }
0x53: {  	_ = 	snop  }
0x54: {  	[tilespmem:s16], [sflag:$0x1] =	stream.indirect.gather [hbm4b:s9+s10], $0x80, s15, s10, $0xb8;
	[tilespmem:$0x16380] =	vst v63  }
0x55: {  	_ = 	snop  }
0x56: {  	[tilespmem:s18], [sflag:$0x1] =	stream.indirect.gather [hbm4b:s9+s10], $0x80, s17, s10, $0xb8;
	[tilespmem:$0x16380] =	vst v63  }
0x57: {  	_ = 	snop  }
0x58: {  	[tilespmem:s21], [sflag:$0x1] =	stream.indirect.gather [hbm4b:s19+s20], $0x80, s6, s20, $0xb8;
	[tilespmem:$0x16380] =	vst v63  }
0x59: {  	_ = 	snop  }
0x5a: {  	[tilespmem:s22], [sflag:$0x1] =	stream.indirect.gather [hbm4b:s9+s20], $0x80, s8, s20, $0xb8;
	[tilespmem:$0x16380] =	vst v63  }
0x5b: {  	_ =	swait.ge [sflag:s23], $0x4000  }
0x5c: {  	[sflag:s23] =	ssyncset.done $0x0  }
0x5d: {  	[sflag:s23] =	ssyncadd.s32 $0xFFFFC000  }
0x5e: {  	_ =	swait.ge [sflag:s23], $0x4000  }
0x5f: {  	[sflag:s23] =	ssyncset.done $0x0  }
0x60: {  	[sflag:s23] =	ssyncadd.s32 $0xFFFFC000  }
0x61: {  	_ =	swait.ge [sflag:s23], $0x4000  }
0x62: {  	[sflag:s23] =	ssyncset.done $0x0  }
0x63: {  	[sflag:s23] =	ssyncadd.s32 $0xFFFFC000  }
0x64: {  	_ =	swait.ge [sflag:s23], $0x4000  }
0x65: {  	[sflag:s23] =	ssyncset.done $0x0  }
0x66: {  	[sflag:s23] =	ssyncadd.s32 $0xFFFFC000  }
0x67: {  	_ =	swait.ge [sflag:s23], $0x4000  }
0x68: {  	[sflag:s23] =	ssyncset.done $0x0  }
0x69: {  	[sflag:s23] =	ssyncadd.s32 $0xFFFFC000  }
0x6a: {  	_ =	swait.ge [sflag:s23], $0x1000  }
0x6b: {  	[sflag:s23] =	ssyncset.done $0x0  }
0x6c: {  	[sflag:s23] =	ssyncadd.s32 $0xFFFFF000  }
0x6d: {  	_ =	swait.ge [sflag:s23], $0x1000  }
0x6e: {  	[sflag:s23] =	ssyncset.done $0x0  }
0x6f: {  	[sflag:s23] =	ssyncadd.s32 $0xFFFFF000  }
0x70: {  	[hbm4b:s24+s2] =	stream.linear.scatter [tilespmem:s11], [sflag:$0x2], $0x14000, $0x38;
	[tilespmem:$0x16380] =	vst v63  }
0x71: {  	_ =	swait.ge [sflag:s3], $0x14000  }
0x72: {  	[sflag:s3] =	ssyncset.done $0x0  }
0x73: {  	[sflag:s3] =	ssyncadd.s32 $0xFFFEC000  }
0x74: {  	[hbm4b:s25+s2] =	stream.linear.scatter [tilespmem:s21], [sflag:$0x2], $0x1000, $0x38;
	[tilespmem:$0x16380] =	vst v63  }
0x75: {  	_ =	swait.ge [sflag:s3], $0x1000  }
.Ltmp1:
0x76: {  	[sflag:s3] =	ssyncset.done $0x0;
	(pc) =	sbr.rel @p0 .LBB2_1-.Ltmp1, $4  }
0x77: {  	[sflag:s3] =	ssyncadd.s32 $0xFFFFF000  }
0x78: {  	[hbm4b:s26+s2] =	stream.linear.scatter [tilespmem:s22], [sflag:$0x2], $0x1000, $0x38;
	[tilespmem:$0x16380] =	vst v63  }
0x79: {  	_ =	swait.ge [sflag:s3], $0x1000  }
0x7a: {  	[sflag:s3] =	ssyncset.done $0x0  }
.LBB2_2:
0x7b: {  	[sflag:s3] =	ssyncadd.s32 $0xFFFFF000  }
0x7c: {  	_ =	sfence.sel $0x180000  }
0x7d: {  	[bflag:$0x0] =	sbarrier.arrive $0xFFFF  }
0x7e: {  	p0 =	sne.s32 s0, $0x0;
	_ =	strace $0x90000047  }
0x7f: {  	s0 =	sadd.s32 @!p0 $0x100000, s1;
	[bflag:$0x2] =	sbarrier.arrive $0xFFFF  }
0x80: {  	[sflag:s0] =	ssyncadd.tile.s32 @!p0 $0x1;
	_ =	shalt  }
.Lfunc_end2:
_tile_overlayer_lowered:
.L_overlay_start_2:
0x81: {  	(tag) =	ssettag $0x2  }
0x82: {  	s0 =	rddreg [dreg:$0x0];
	s2 =	stileid.u32  }
0x83: {  	s1 =	rddreg [dreg:$0x1];
	p0 =	sne.s32 s2, $0x0  }
0x84: {  	s3 =	rddreg [dreg:$0x2];
	[bflag:$0x3] =	sbarrier.arrive $0xFFFF;
	s2 =	simm.s32 @!p0 $0x1C02  }
0x85: {  	[timem:s3], [sflag:s2] =	dma.local @!p0 [hbm:s0], s1  }
0x86: {  	s0 =	simm.s32 @!p0 $0x2  }
0x87: {  	_ =	swait.ge @!p0 [sflag:s0], s1  }
0x88: {  	s1 =	ssub.s32 @!p0 $0x0, s1;
	[sflag:s0] =	ssyncset.done @!p0 $0x0  }
0x89: {  	[sflag:s0] =	ssyncadd.s32 @!p0 s1  }
0x8a: {  	[bflag:$0x3] =	sbarrier.arrive $0xFFFF  }
0x8b: {  	_ =	shalt  }

</sc_bundles>
